<compile_context>
chip_gen: v7x
topology: tpu7x:2x2x1
jax: 0.10.2.dev20260603
libtpu: 0.0.44.dev20260713+nightly
codegen_flags: <defaults>
</compile_context>

<pallas_src>
import functools

import jax
import jax.numpy as jnp
from jax import lax
from jax.experimental import pallas as pl
from jax.experimental.pallas import tpu as pltpu
from jax.experimental.pallas import tpu_sc as plsc

_NC = 2
_NS = 16
_NW = _NC * _NS
_B = 80
_DEGW = 16


def _sc_mesh():
    return plsc.VectorSubcoreMesh(core_axis_name="c", subcore_axis_name="s")


def _pad_rows(n, align=8):
    step = align * _NS
    return ((n + step - 1) // step) * step


_K = 5


def _make_deg_kernel(n_pad, e):
    rpt = n_pad // _NS
    ept = e // _NW
    nsuper = ept // (_B * _K)
    ka, kb = 3, 2
    assert ka + kb == _K

    @functools.partial(
        pl.kernel,
        out_type=jax.ShapeDtypeStruct((_NC, n_pad, _DEGW), jnp.float32),
        mesh=_sc_mesh(),
        scratch_types=(
            [pltpu.VMEM((_B,), jnp.int32) for _ in range(_K)]
            + [
                pltpu.VMEM((_B, _DEGW), jnp.float32),
                pltpu.VMEM_SHARED((n_pad, _DEGW), jnp.float32),
                pltpu.SemaphoreType.DMA,
                pltpu.SemaphoreType.DMA,
                pltpu.SemaphoreType.DMA,
                pltpu.SemaphoreType.DMA,
            ]
        ),
        compiler_params=pltpu.CompilerParams(use_tc_tiling_on_sc=False),
    )
    def deg_kernel(dst_hbm, zeros_hbm, ones_hbm, out_hbm, *scr):
        didx = scr[:_K]
        didx_a, didx_b = didx[:ka], didx[ka:]
        ones_v, deg_sp, isem_a, isem_b, ssem_a, ssem_b = scr[_K:]
        c = lax.axis_index("c")
        s = lax.axis_index("s")
        wid = c * _NS + s
        r0 = s * rpt
        pltpu.sync_copy(zeros_hbm, deg_sp.at[pl.ds(r0, rpt)])
        pltpu.sync_copy(ones_hbm, ones_v)
        plsc.subcore_barrier()
        e0 = wid * ept

        def fire_idx(chunk0, didxs, isem):
            for i, dref in enumerate(didxs):
                pltpu.async_copy(
                    dst_hbm.at[pl.ds(e0 + (chunk0 + i) * _B, _B)], dref, isem)

        def drain_idx(didxs, isem):
            for dref in didxs:
                pltpu.make_async_copy(dst_hbm.at[pl.ds(0, _B)], dref, isem).wait()

        def fire_scatters(didxs, ssem):
            for dref in didxs:
                pltpu.async_copy(ones_v, deg_sp.at[dref], ssem, add=True)

        def drain_scatters(didxs, ssem):
            for _ in didxs:
                pltpu.make_async_copy(ones_hbm, ones_v, ssem).wait()

        fire_idx(0, didx_a, isem_a)

        def body(g, carry):
            cbase = g * _K

            @pl.when(g > 0)
            def _():
                drain_scatters(didx_b, ssem_b)

            fire_idx(cbase + ka, didx_b, isem_b)
            drain_idx(didx_a, isem_a)
            fire_scatters(didx_a, ssem_a)
            drain_scatters(didx_a, ssem_a)

            @pl.when(g < nsuper - 1)
            def _():
                fire_idx(cbase + _K, didx_a, isem_a)

            drain_idx(didx_b, isem_b)
            fire_scatters(didx_b, ssem_b)
            return carry

        lax.fori_loop(0, nsuper, body, 0)
        drain_scatters(didx_b, ssem_b)
        plsc.subcore_barrier()
        pltpu.sync_copy(deg_sp.at[pl.ds(r0, rpt)], out_hbm.at[c].at[pl.ds(r0, rpt)])

    return deg_kernel


def _make_scatter_kernel(n_pad, e, d):
    rpt = n_pad // _NS
    ept = e // _NW
    sets = ((0, 72), (72, 64), (136, 64))
    grp = sum(sz for _, sz in sets)
    ngroup = ept // grp

    @functools.partial(
        pl.kernel,
        out_type=jax.ShapeDtypeStruct((_NC, n_pad, d), jnp.float32),
        mesh=_sc_mesh(),
        scratch_types=(
            [pltpu.VMEM((ept,), jnp.int32)]
            + [pltpu.VMEM((sz,), jnp.int32) for _, sz in sets]
            + [pltpu.VMEM((sz, d), jnp.float32) for _, sz in sets]
            + [pltpu.VMEM_SHARED((n_pad, d), jnp.float32)]
            + [pltpu.SemaphoreType.DMA] * (2 * len(sets))
        ),
    )
    def scatter_kernel(src_hbm, dst_hbm, g_hbm, zeros_hbm, out_hbm, *scr):
        ns = len(sets)
        src_big = scr[0]
        didx = scr[1:1 + ns]
        rows = scr[1 + ns:1 + 2 * ns]
        acc_sp = scr[1 + 2 * ns]
        gsem = scr[2 + 2 * ns:2 + 2 * ns + ns]
        ssem = scr[2 + 2 * ns + ns:]
        c = lax.axis_index("c")
        s = lax.axis_index("s")
        wid = c * _NS + s
        r0 = s * rpt
        e0 = wid * ept
        pltpu.sync_copy(zeros_hbm, acc_sp.at[pl.ds(r0, rpt)])
        pltpu.sync_copy(src_hbm.at[pl.ds(e0, ept)], src_big)
        plsc.subcore_barrier()

        def fire_g(i, gbase):
            off, sz = sets[i]
            pltpu.async_copy(dst_hbm.at[pl.ds(e0 + gbase + off, sz)],
                             didx[i], gsem[i])
            pltpu.async_copy(g_hbm.at[src_big.at[pl.ds(gbase + off, sz)]],
                             rows[i], gsem[i])

        def drain_g(i):
            _, sz = sets[i]
            pltpu.make_async_copy(g_hbm.at[pl.ds(0, sz)], rows[i],
                                  gsem[i]).wait()
            pltpu.make_async_copy(dst_hbm.at[pl.ds(0, sz)], didx[i],
                                  gsem[i]).wait()

        def fire_s(i):
            pltpu.async_copy(rows[i], acc_sp.at[didx[i]], ssem[i], add=True)

        def drain_s(i):
            _, sz = sets[i]
            pltpu.make_async_copy(g_hbm.at[pl.ds(0, sz)], rows[i],
                                  ssem[i]).wait()

        for i in range(ns - 1):
            fire_g(i, 0)

        def body(g, carry):
            gbase = g * grp
            for i in range(ns):
                drain_g(i)
                fire_s(i)
                j = (i - 1) % ns
                if i == 0:
                    @pl.when(g > 0)
                    def _():
                        drain_s(j)
                    fire_g(j, gbase)
                else:
                    drain_s(j)

                    @pl.when(g < ngroup - 1)
                    def _():
                        fire_g(j, gbase + grp)
            return carry

        lax.fori_loop(0, ngroup, body, 0)
        drain_s(ns - 1)
        plsc.subcore_barrier()
        pltpu.sync_copy(acc_sp.at[pl.ds(r0, rpt)], out_hbm.at[c].at[pl.ds(r0, rpt)])

    return scatter_kernel


def _deg_from_partials(dp_ref):
    return dp_ref[0, :, 0:1] + dp_ref[1, :, 0:1] + 1.0


def _tc_scale_body(x_ref, w_ref, dp_ref, g_ref):
    h = jnp.dot(x_ref[...], w_ref[...], preferred_element_type=jnp.float32)
    g_ref[...] = h * lax.rsqrt(_deg_from_partials(dp_ref))


def _tc_final_body(s_ref, g_ref, dp_ref, b_ref, o_ref):
    dinv = lax.rsqrt(_deg_from_partials(dp_ref))
    agg = s_ref[0] + s_ref[1] + g_ref[...]
    o_ref[...] = jnp.maximum(dinv * agg + b_ref[...], 0.0)


def kernel(x, edge_index, W, b):
    n, d = x.shape
    e = edge_index.shape[1]
    src = edge_index[0]
    dst = edge_index[1]
    n_pad = _pad_rows(n)
    rpt = n_pad // _NS
    zeros16 = jnp.zeros((rpt, _DEGW), jnp.float32)
    ones16 = jnp.ones((_B, _DEGW), jnp.float32)
    zeros_d = jnp.zeros((rpt, d), jnp.float32)

    deg_partials = _make_deg_kernel(n_pad, e)(dst, zeros16, ones16)

    blk = 2000
    grid = n // blk
    g = pl.pallas_call(
        _tc_scale_body,
        out_shape=jax.ShapeDtypeStruct((n, d), jnp.float32),
        grid=(grid,),
        in_specs=[
            pl.BlockSpec((blk, d), lambda i: (i, 0)),
            pl.BlockSpec((d, d), lambda i: (0, 0)),
            pl.BlockSpec((_NC, blk, _DEGW), lambda i: (0, i, 0)),
        ],
        out_specs=pl.BlockSpec((blk, d), lambda i: (i, 0)),
    )(x, W, deg_partials)

    s_partials = _make_scatter_kernel(n_pad, e, d)(src, dst, g, zeros_d)

    out = pl.pallas_call(
        _tc_final_body,
        out_shape=jax.ShapeDtypeStruct((n, d), jnp.float32),
        grid=(grid,),
        in_specs=[
            pl.BlockSpec((_NC, blk, d), lambda i: (0, i, 0)),
            pl.BlockSpec((blk, d), lambda i: (i, 0)),
            pl.BlockSpec((_NC, blk, _DEGW), lambda i: (0, i, 0)),
            pl.BlockSpec((1, d), lambda i: (0, 0)),
        ],
        out_specs=pl.BlockSpec((blk, d), lambda i: (i, 0)),
    )(s_partials, g, deg_partials, b.reshape(1, d))

    return out

# --- scband reference (transcript-rebuilt; emitter-appended) ---
"""Pipeline reference for scband-simple-gnnlayer-78512002171437 (READ-ONLY COPY).

The authoritative reference and input builder live on the scoring server;
editing this copy changes nothing except your own understanding.
"""

import jax, jax.numpy as jnp
import numpy as np

N = 10000
E = 320000
D = 128


def setup_inputs(seed: int = 0) -> dict:
    key = jax.random.key(seed)
    k1, k2, k3 = jax.random.split(key, 3)
    x = jax.random.normal(k1, (N, D), dtype=jnp.float32)
    edge_index = jax.random.randint(k2, (2, E), 0, N, dtype=jnp.int32)
    # GCNConv learned params: weight [D_in, D_out] and bias [D_out]
    W = jax.random.normal(k3, (D, D), dtype=jnp.float32) * (1.0 / np.sqrt(D))
    b = jnp.zeros((D,), dtype=jnp.float32)
    return {"x": x, "edge_index": edge_index, "W": W, "b": b}


def reference(x, edge_index, W, b):
    # SimpleGNNLayer.forward: dropout(relu(gnn(x, edge_index)))
    # gnn = GCNConv(h, h): symmetric-normalized message passing with self-loops.
    # Dropout is identity in eval mode.
    src = edge_index[0]
    dst = edge_index[1]
    loop = jnp.arange(N, dtype=src.dtype)
    src = jnp.concatenate([src, loop])
    dst = jnp.concatenate([dst, loop])
    # linear transform first (PyG GCNConv applies lin before propagate)
    h = x @ W
    # symmetric normalization deg^{-1/2}[src] * deg^{-1/2}[dst]
    deg = jnp.zeros((N,), dtype=jnp.float32).at[dst].add(1.0)
    dinv = jnp.where(deg > 0, jax.lax.rsqrt(jnp.maximum(deg, 1e-12)), 0.0)
    norm = dinv[src] * dinv[dst]
    # gather messages and scatter-add to destination nodes
    msg = h[src] * norm[:, None]
    out = jax.ops.segment_sum(msg, dst, num_segments=N)
    out = out + b
    return jax.nn.relu(out)

if __name__ == "__main__":
    import jax
    _d = setup_inputs()
    print(jax.jit(kernel)(*tuple(_d.values())))

</pallas_src>

<mosaic_0001>
#map = affine_map<(d0, d1) -> (0)>
#map1 = affine_map<(d0, d1) -> (0, 0)>
#map2 = affine_map<(d0, d1) -> (0, 0, 0)>
module attributes {stable_mosaic.version = 14 : i64} {
  func.func @scatter_kernel(%arg0: i32, %arg1: i32, %arg2: memref<320000xi32, #tpu.memory_space<hbm>>, %arg3: memref<320000xi32, #tpu.memory_space<hbm>>, %arg4: memref<10000x128xf32, #tpu.memory_space<hbm>>, %arg5: memref<632x128xf32, #tpu.memory_space<hbm>>, %arg6: memref<2x10112x128xf32, #tpu.memory_space<hbm>>, %arg7: memref<10000xi32, #tpu.memory_space<vmem>>, %arg8: memref<72xi32, #tpu.memory_space<vmem>>, %arg9: memref<64xi32, #tpu.memory_space<vmem>>, %arg10: memref<64xi32, #tpu.memory_space<vmem>>, %arg11: memref<72x128xf32, #tpu.memory_space<vmem>>, %arg12: memref<64x128xf32, #tpu.memory_space<vmem>>, %arg13: memref<64x128xf32, #tpu.memory_space<vmem>>, %arg14: memref<10112x128xf32, #tpu.memory_space<vmem_shared>>, %arg15: memref<!tpu.dma_semaphore, #tpu.memory_space<semaphore_mem>>, %arg16: memref<!tpu.dma_semaphore, #tpu.memory_space<semaphore_mem>>, %arg17: memref<!tpu.dma_semaphore, #tpu.memory_space<semaphore_mem>>, %arg18: memref<!tpu.dma_semaphore, #tpu.memory_space<semaphore_mem>>, %arg19: memref<!tpu.dma_semaphore, #tpu.memory_space<semaphore_mem>>, %arg20: memref<!tpu.dma_semaphore, #tpu.memory_space<semaphore_mem>>) attributes {dimension_semantics = [#tpu.dimension_semantics<core_parallel>, #tpu.dimension_semantics<subcore_parallel>], iteration_bounds = array<i64: 2, 16>, scalar_prefetch = 0 : i64, scratch_operands = 14 : i64, tpu.core_type = #tpu.core_type<sc_vector_subcore>, window_params = [{transform_indices = #map}, {transform_indices = #map}, {transform_indices = #map1}, {transform_indices = #map1}, {transform_indices = #map2}]} {
    %mul3A = arith.constant 16 : i32
    %mul3A_0 = arith.muli %arg0, %mul3A : i32
    %add3A = arith.addi %mul3A_0, %arg1 : i32
    %mul3A_1 = arith.constant 632 : i32
    %mul3A_2 = arith.muli %arg1, %mul3A_1 : i32
    %mul3A_3 = arith.constant 10000 : i32
    %mul3A_4 = arith.muli %add3A, %mul3A_3 : i32
    "tpu.region"() ({
      %run_scoped3A = tpu.sem_alloc : memref<!tpu.dma_semaphore, #tpu.memory_space<semaphore_mem>>
      %dma_start3A_37 = arith.constant 0 : i32
      %dma_start3A_38 = tpu.memref_slice %arg14[%mul3A_2, %dma_start3A_37] : memref<10112x128xf32, #tpu.memory_space<vmem_shared>> -> memref<632x128xf32, #tpu.memory_space<vmem_shared>>
      tpu.enqueue_dma source(%arg5 : memref<632x128xf32, #tpu.memory_space<hbm>>) target(%dma_start3A_38 : memref<632x128xf32, #tpu.memory_space<vmem_shared>>) target_semaphore(%run_scoped3A : memref<!tpu.dma_semaphore, #tpu.memory_space<semaphore_mem>>)
      %dma_wait3A_39 = arith.constant 0 : i32
      %dma_wait3A_40 = tpu.memref_slice %arg14[%mul3A_2, %dma_wait3A_39] : memref<10112x128xf32, #tpu.memory_space<vmem_shared>> -> memref<632x128xf32, #tpu.memory_space<vmem_shared>>
      tpu.wait_dma2 semaphore(%run_scoped3A : memref<!tpu.dma_semaphore, #tpu.memory_space<semaphore_mem>>) src(%arg5 : memref<632x128xf32, #tpu.memory_space<hbm>>) dst(%dma_wait3A_40 : memref<632x128xf32, #tpu.memory_space<vmem_shared>>)
      tpu.yield
    }) : () -> ()
    "tpu.region"() ({
      %run_scoped3A = tpu.sem_alloc : memref<!tpu.dma_semaphore, #tpu.memory_space<semaphore_mem>>
      %dma_start3A_37 = tpu.memref_slice %arg2[%mul3A_4] : memref<320000xi32, #tpu.memory_space<hbm>> -> memref<10000xi32, #tpu.memory_space<hbm>>
      %dma_start3A_38 = tpu.memref_slice %arg2[%mul3A_4] : memref<320000xi32, #tpu.memory_space<hbm>> -> memref<10000xi32, #tpu.memory_space<hbm>>
      tpu.enqueue_dma source(%dma_start3A_38 : memref<10000xi32, #tpu.memory_space<hbm>>) target(%arg7 : memref<10000xi32, #tpu.memory_space<vmem>>) target_semaphore(%run_scoped3A : memref<!tpu.dma_semaphore, #tpu.memory_space<semaphore_mem>>)
      %dma_wait3A_39 = tpu.memref_slice %arg2[%mul3A_4] : memref<320000xi32, #tpu.memory_space<hbm>> -> memref<10000xi32, #tpu.memory_space<hbm>>
      %dma_wait3A_40 = tpu.memref_slice %arg2[%mul3A_4] : memref<320000xi32, #tpu.memory_space<hbm>> -> memref<10000xi32, #tpu.memory_space<hbm>>
      tpu.wait_dma2 semaphore(%run_scoped3A : memref<!tpu.dma_semaphore, #tpu.memory_space<semaphore_mem>>) src(%dma_wait3A_40 : memref<10000xi32, #tpu.memory_space<hbm>>) dst(%arg7 : memref<10000xi32, #tpu.memory_space<vmem>>)
      tpu.yield
    }) : () -> ()
    %barrier3A = arith.constant 0 : index
    tpu.barrier barrier_id(%barrier3A)
    %add3A_5 = arith.constant 0 : i32
    %add3A_6 = arith.addi %mul3A_4, %add3A_5 : i32
    %add3A_7 = arith.constant 0 : i32
    %add3A_8 = arith.addi %add3A_6, %add3A_7 : i32
    %dma_start3A = tpu.memref_slice %arg3[%add3A_8] : memref<320000xi32, #tpu.memory_space<hbm>> -> memref<72xi32, #tpu.memory_space<hbm>>
    %dma_start3A_9 = tpu.memref_slice %arg3[%add3A_8] : memref<320000xi32, #tpu.memory_space<hbm>> -> memref<72xi32, #tpu.memory_space<hbm>>
    tpu.enqueue_dma source(%dma_start3A_9 : memref<72xi32, #tpu.memory_space<hbm>>) target(%arg8 : memref<72xi32, #tpu.memory_space<vmem>>) target_semaphore(%arg15 : memref<!tpu.dma_semaphore, #tpu.memory_space<semaphore_mem>>)
    %dma_start3A_10 = arith.constant 0 : i32
    %dma_start3A_11 = tpu.memref_slice %arg7[%dma_start3A_10] : memref<10000xi32, #tpu.memory_space<vmem>> -> memref<72xi32, #tpu.memory_space<vmem>>
    %dma_start3A_12 = arith.constant 0 : i32
    %dma_start3A_13 = arith.constant 0 : i32
    %dma_start3A_14 = tpu.memref_slice %arg4[%dma_start3A_12, %dma_start3A_13] : memref<10000x128xf32, #tpu.memory_space<hbm>> -> memref<10000x128xf32, #tpu.memory_space<hbm>>
    tpu.enqueue_indirect_dma source(%dma_start3A_14 : memref<10000x128xf32, #tpu.memory_space<hbm>>) target(%arg11 : memref<72x128xf32, #tpu.memory_space<vmem>>) offsets(%dma_start3A_11 : memref<72xi32, #tpu.memory_space<vmem>>) semaphore(%arg15 : memref<!tpu.dma_semaphore, #tpu.memory_space<semaphore_mem>>)
    %add3A_15 = arith.constant 0 : i32
    %add3A_16 = arith.addi %mul3A_4, %add3A_15 : i32
    %add3A_17 = arith.constant 72 : i32
    %add3A_18 = arith.addi %add3A_16, %add3A_17 : i32
    %dma_start3A_19 = tpu.memref_slice %arg3[%add3A_18] : memref<320000xi32, #tpu.memory_space<hbm>> -> memref<64xi32, #tpu.memory_space<hbm>>
    %dma_start3A_20 = tpu.memref_slice %arg3[%add3A_18] : memref<320000xi32, #tpu.memory_space<hbm>> -> memref<64xi32, #tpu.memory_space<hbm>>
    tpu.enqueue_dma source(%dma_start3A_20 : memref<64xi32, #tpu.memory_space<hbm>>) target(%arg9 : memref<64xi32, #tpu.memory_space<vmem>>) target_semaphore(%arg16 : memref<!tpu.dma_semaphore, #tpu.memory_space<semaphore_mem>>)
    %dma_start3A_21 = arith.constant 72 : i32
    %dma_start3A_22 = tpu.memref_slice %arg7[%dma_start3A_21] : memref<10000xi32, #tpu.memory_space<vmem>> -> memref<64xi32, #tpu.memory_space<vmem>>
    %dma_start3A_23 = arith.constant 0 : i32
    %dma_start3A_24 = arith.constant 0 : i32
    %dma_start3A_25 = tpu.memref_slice %arg4[%dma_start3A_23, %dma_start3A_24] : memref<10000x128xf32, #tpu.memory_space<hbm>> -> memref<10000x128xf32, #tpu.memory_space<hbm>>
    tpu.enqueue_indirect_dma source(%dma_start3A_25 : memref<10000x128xf32, #tpu.memory_space<hbm>>) target(%arg12 : memref<64x128xf32, #tpu.memory_space<vmem>>) offsets(%dma_start3A_22 : memref<64xi32, #tpu.memory_space<vmem>>) semaphore(%arg16 : memref<!tpu.dma_semaphore, #tpu.memory_space<semaphore_mem>>)
    %scan3A = arith.constant 0 : i32
    %scan3A_26 = arith.constant 0 : i32
    %scan3A_27 = arith.constant 50 : i32
    %scan3A_28 = arith.addi %scan3A_26, %scan3A_27 : i32
    %scan3A_29 = arith.constant 1 : i32
    scf.for %scan3A_37 = %scan3A_26 to %scan3A_28 step %scan3A_29  : i32 {
      %mul3A_38 = arith.constant 200 : i32
      %mul3A_39 = arith.muli %scan3A_37, %mul3A_38 : i32
      %dma_wait3A_40 = arith.constant 0 : i32
      %dma_wait3A_41 = arith.constant 0 : i32
      %dma_wait3A_42 = tpu.memref_slice %arg4[%dma_wait3A_40, %dma_wait3A_41] : memref<10000x128xf32, #tpu.memory_space<hbm>> -> memref<72x128xf32, #tpu.memory_space<hbm>>
      %dma_wait3A_43 = arith.constant 0 : i32
      %dma_wait3A_44 = arith.constant 0 : i32
      %dma_wait3A_45 = tpu.memref_slice %arg4[%dma_wait3A_43, %dma_wait3A_44] : memref<10000x128xf32, #tpu.memory_space<hbm>> -> memref<72x128xf32, #tpu.memory_space<hbm>>
      tpu.wait_dma2 semaphore(%arg15 : memref<!tpu.dma_semaphore, #tpu.memory_space<semaphore_mem>>) src(%dma_wait3A_45 : memref<72x128xf32, #tpu.memory_space<hbm>>) dst(%arg11 : memref<72x128xf32, #tpu.memory_space<vmem>>)
      %dma_wait3A_46 = arith.constant 0 : i32
      %dma_wait3A_47 = tpu.memref_slice %arg3[%dma_wait3A_46] : memref<320000xi32, #tpu.memory_space<hbm>> -> memref<72xi32, #tpu.memory_space<hbm>>
      %dma_wait3A_48 = arith.constant 0 : i32
      %dma_wait3A_49 = tpu.memref_slice %arg3[%dma_wait3A_48] : memref<320000xi32, #tpu.memory_space<hbm>> -> memref<72xi32, #tpu.memory_space<hbm>>
      tpu.wait_dma2 semaphore(%arg15 : memref<!tpu.dma_semaphore, #tpu.memory_space<semaphore_mem>>) src(%dma_wait3A_49 : memref<72xi32, #tpu.memory_space<hbm>>) dst(%arg8 : memref<72xi32, #tpu.memory_space<vmem>>)
      %dma_start3A_50 = arith.constant 0 : i32
      %dma_start3A_51 = arith.constant 0 : i32
      %dma_start3A_52 = tpu.memref_slice %arg14[%dma_start3A_50, %dma_start3A_51] : memref<10112x128xf32, #tpu.memory_space<vmem_shared>> -> memref<10112x128xf32, #tpu.memory_space<vmem_shared>>
      tpu.enqueue_indirect_dma source(%arg11 : memref<72x128xf32, #tpu.memory_space<vmem>>) target(%dma_start3A_52 : memref<10112x128xf32, #tpu.memory_space<vmem_shared>>) offsets(%arg8 : memref<72xi32, #tpu.memory_space<vmem>>) semaphore(%arg18 : memref<!tpu.dma_semaphore, #tpu.memory_space<semaphore_mem>>) {add = true}
      %gt3A = arith.constant 0 : i32
      %gt3A_53 = arith.cmpi sgt, %scan3A_37, %gt3A : i32
      %convert_element_type3A = arith.extui %gt3A_53 : i1 to i32
      %cond3A = arith.constant 0 : i32
      %cond3A_54 = arith.cmpi ne, %convert_element_type3A, %cond3A : i32
      scf.if %cond3A_54 {
        %dma_wait3A_113 = arith.constant 0 : i32
        %dma_wait3A_114 = arith.constant 0 : i32
        %dma_wait3A_115 = tpu.memref_slice %arg4[%dma_wait3A_113, %dma_wait3A_114] : memref<10000x128xf32, #tpu.memory_space<hbm>> -> memref<64x128xf32, #tpu.memory_space<hbm>>
        %dma_wait3A_116 = arith.constant 0 : i32
        %dma_wait3A_117 = arith.constant 0 : i32
        %dma_wait3A_118 = tpu.memref_slice %arg4[%dma_wait3A_116, %dma_wait3A_117] : memref<10000x128xf32, #tpu.memory_space<hbm>> -> memref<64x128xf32, #tpu.memory_space<hbm>>
        tpu.wait_dma2 semaphore(%arg20 : memref<!tpu.dma_semaphore, #tpu.memory_space<semaphore_mem>>) src(%dma_wait3A_118 : memref<64x128xf32, #tpu.memory_space<hbm>>) dst(%arg13 : memref<64x128xf32, #tpu.memory_space<vmem>>)
      } else {
      }
      %add3A_55 = arith.addi %mul3A_4, %mul3A_39 : i32
      %add3A_56 = arith.constant 136 : i32
      %add3A_57 = arith.addi %add3A_55, %add3A_56 : i32
      %dma_start3A_58 = tpu.memref_slice %arg3[%add3A_57] : memref<320000xi32, #tpu.memory_space<hbm>> -> memref<64xi32, #tpu.memory_space<hbm>>
      %dma_start3A_59 = tpu.memref_slice %arg3[%add3A_57] : memref<320000xi32, #tpu.memory_space<hbm>> -> memref<64xi32, #tpu.memory_space<hbm>>
      tpu.enqueue_dma source(%dma_start3A_59 : memref<64xi32, #tpu.memory_space<hbm>>) target(%arg10 : memref<64xi32, #tpu.memory_space<vmem>>) target_semaphore(%arg17 : memref<!tpu.dma_semaphore, #tpu.memory_space<semaphore_mem>>)
      %add3A_60 = arith.constant 136 : i32
      %add3A_61 = arith.addi %mul3A_39, %add3A_60 : i32
      %dma_start3A_62 = tpu.memref_slice %arg7[%add3A_61] : memref<10000xi32, #tpu.memory_space<vmem>> -> memref<64xi32, #tpu.memory_space<vmem>>
      %dma_start3A_63 = arith.constant 0 : i32
      %dma_start3A_64 = arith.constant 0 : i32
      %dma_start3A_65 = tpu.memref_slice %arg4[%dma_start3A_63, %dma_start3A_64] : memref<10000x128xf32, #tpu.memory_space<hbm>> -> memref<10000x128xf32, #tpu.memory_space<hbm>>
      tpu.enqueue_indirect_dma source(%dma_start3A_65 : memref<10000x128xf32, #tpu.memory_space<hbm>>) target(%arg13 : memref<64x128xf32, #tpu.memory_space<vmem>>) offsets(%dma_start3A_62 : memref<64xi32, #tpu.memory_space<vmem>>) semaphore(%arg17 : memref<!tpu.dma_semaphore, #tpu.memory_space<semaphore_mem>>)
      %dma_wait3A_66 = arith.constant 0 : i32
      %dma_wait3A_67 = arith.constant 0 : i32
      %dma_wait3A_68 = tpu.memref_slice %arg4[%dma_wait3A_66, %dma_wait3A_67] : memref<10000x128xf32, #tpu.memory_space<hbm>> -> memref<64x128xf32, #tpu.memory_space<hbm>>
      %dma_wait3A_69 = arith.constant 0 : i32
      %dma_wait3A_70 = arith.constant 0 : i32
      %dma_wait3A_71 = tpu.memref_slice %arg4[%dma_wait3A_69, %dma_wait3A_70] : memref<10000x128xf32, #tpu.memory_space<hbm>> -> memref<64x128xf32, #tpu.memory_space<hbm>>
      tpu.wait_dma2 semaphore(%arg16 : memref<!tpu.dma_semaphore, #tpu.memory_space<semaphore_mem>>) src(%dma_wait3A_71 : memref<64x128xf32, #tpu.memory_space<hbm>>) dst(%arg12 : memref<64x128xf32, #tpu.memory_space<vmem>>)
      %dma_wait3A_72 = arith.constant 0 : i32
      %dma_wait3A_73 = tpu.memref_slice %arg3[%dma_wait3A_72] : memref<320000xi32, #tpu.memory_space<hbm>> -> memref<64xi32, #tpu.memory_space<hbm>>
      %dma_wait3A_74 = arith.constant 0 : i32
      %dma_wait3A_75 = tpu.memref_slice %arg3[%dma_wait3A_74] : memref<320000xi32, #tpu.memory_space<hbm>> -> memref<64xi32, #tpu.memory_space<hbm>>
      tpu.wait_dma2 semaphore(%arg16 : memref<!tpu.dma_semaphore, #tpu.memory_space<semaphore_mem>>) src(%dma_wait3A_75 : memref<64xi32, #tpu.memory_space<hbm>>) dst(%arg9 : memref<64xi32, #tpu.memory_space<vmem>>)
      %dma_start3A_76 = arith.constant 0 : i32
      %dma_start3A_77 = arith.constant 0 : i32
      %dma_start3A_78 = tpu.memref_slice %arg14[%dma_start3A_76, %dma_start3A_77] : memref<10112x128xf32, #tpu.memory_space<vmem_shared>> -> memref<10112x128xf32, #tpu.memory_space<vmem_shared>>
      tpu.enqueue_indirect_dma source(%arg12 : memref<64x128xf32, #tpu.memory_space<vmem>>) target(%dma_start3A_78 : memref<10112x128xf32, #tpu.memory_space<vmem_shared>>) offsets(%arg9 : memref<64xi32, #tpu.memory_space<vmem>>) semaphore(%arg19 : memref<!tpu.dma_semaphore, #tpu.memory_space<semaphore_mem>>) {add = true}
      %dma_wait3A_79 = arith.constant 0 : i32
      %dma_wait3A_80 = arith.constant 0 : i32
      %dma_wait3A_81 = tpu.memref_slice %arg4[%dma_wait3A_79, %dma_wait3A_80] : memref<10000x128xf32, #tpu.memory_space<hbm>> -> memref<72x128xf32, #tpu.memory_space<hbm>>
      %dma_wait3A_82 = arith.constant 0 : i32
      %dma_wait3A_83 = arith.constant 0 : i32
      %dma_wait3A_84 = tpu.memref_slice %arg4[%dma_wait3A_82, %dma_wait3A_83] : memref<10000x128xf32, #tpu.memory_space<hbm>> -> memref<72x128xf32, #tpu.memory_space<hbm>>
      tpu.wait_dma2 semaphore(%arg18 : memref<!tpu.dma_semaphore, #tpu.memory_space<semaphore_mem>>) src(%dma_wait3A_84 : memref<72x128xf32, #tpu.memory_space<hbm>>) dst(%arg11 : memref<72x128xf32, #tpu.memory_space<vmem>>)
      %lt3A = arith.constant 49 : i32
      %lt3A_85 = arith.cmpi slt, %scan3A_37, %lt3A : i32
      %convert_element_type3A_86 = arith.extui %lt3A_85 : i1 to i32
      %cond3A_87 = arith.constant 0 : i32
      %cond3A_88 = arith.cmpi ne, %convert_element_type3A_86, %cond3A_87 : i32
      scf.if %cond3A_88 {
        %add3A_113 = arith.constant 200 : i32
        %add3A_114 = arith.addi %mul3A_39, %add3A_113 : i32
        %add3A_115 = arith.addi %mul3A_4, %add3A_114 : i32
        %add3A_116 = arith.constant 0 : i32
        %add3A_117 = arith.addi %add3A_115, %add3A_116 : i32
        %dma_start3A_118 = tpu.memref_slice %arg3[%add3A_117] : memref<320000xi32, #tpu.memory_space<hbm>> -> memref<72xi32, #tpu.memory_space<hbm>>
        %dma_start3A_119 = tpu.memref_slice %arg3[%add3A_117] : memref<320000xi32, #tpu.memory_space<hbm>> -> memref<72xi32, #tpu.memory_space<hbm>>
        tpu.enqueue_dma source(%dma_start3A_119 : memref<72xi32, #tpu.memory_space<hbm>>) target(%arg8 : memref<72xi32, #tpu.memory_space<vmem>>) target_semaphore(%arg15 : memref<!tpu.dma_semaphore, #tpu.memory_space<semaphore_mem>>)
        %add3A_120 = arith.constant 0 : i32
        %add3A_121 = arith.addi %add3A_114, %add3A_120 : i32
        %dma_start3A_122 = tpu.memref_slice %arg7[%add3A_121] : memref<10000xi32, #tpu.memory_space<vmem>> -> memref<72xi32, #tpu.memory_space<vmem>>
        %dma_start3A_123 = arith.constant 0 : i32
        %dma_start3A_124 = arith.constant 0 : i32
        %dma_start3A_125 = tpu.memref_slice %arg4[%dma_start3A_123, %dma_start3A_124] : memref<10000x128xf32, #tpu.memory_space<hbm>> -> memref<10000x128xf32, #tpu.memory_space<hbm>>
        tpu.enqueue_indirect_dma source(%dma_start3A_125 : memref<10000x128xf32, #tpu.memory_space<hbm>>) target(%arg11 : memref<72x128xf32, #tpu.memory_space<vmem>>) offsets(%dma_start3A_122 : memref<72xi32, #tpu.memory_space<vmem>>) semaphore(%arg15 : memref<!tpu.dma_semaphore, #tpu.memory_space<semaphore_mem>>)
      } else {
      }
      %dma_wait3A_89 = arith.constant 0 : i32
      %dma_wait3A_90 = arith.constant 0 : i32
      %dma_wait3A_91 = tpu.memref_slice %arg4[%dma_wait3A_89, %dma_wait3A_90] : memref<10000x128xf32, #tpu.memory_space<hbm>> -> memref<64x128xf32, #tpu.memory_space<hbm>>
      %dma_wait3A_92 = arith.constant 0 : i32
      %dma_wait3A_93 = arith.constant 0 : i32
      %dma_wait3A_94 = tpu.memref_slice %arg4[%dma_wait3A_92, %dma_wait3A_93] : memref<10000x128xf32, #tpu.memory_space<hbm>> -> memref<64x128xf32, #tpu.memory_space<hbm>>
      tpu.wait_dma2 semaphore(%arg17 : memref<!tpu.dma_semaphore, #tpu.memory_space<semaphore_mem>>) src(%dma_wait3A_94 : memref<64x128xf32, #tpu.memory_space<hbm>>) dst(%arg13 : memref<64x128xf32, #tpu.memory_space<vmem>>)
      %dma_wait3A_95 = arith.constant 0 : i32
      %dma_wait3A_96 = tpu.memref_slice %arg3[%dma_wait3A_95] : memref<320000xi32, #tpu.memory_space<hbm>> -> memref<64xi32, #tpu.memory_space<hbm>>
      %dma_wait3A_97 = arith.constant 0 : i32
      %dma_wait3A_98 = tpu.memref_slice %arg3[%dma_wait3A_97] : memref<320000xi32, #tpu.memory_space<hbm>> -> memref<64xi32, #tpu.memory_space<hbm>>
      tpu.wait_dma2 semaphore(%arg17 : memref<!tpu.dma_semaphore, #tpu.memory_space<semaphore_mem>>) src(%dma_wait3A_98 : memref<64xi32, #tpu.memory_space<hbm>>) dst(%arg10 : memref<64xi32, #tpu.memory_space<vmem>>)
      %dma_start3A_99 = arith.constant 0 : i32
      %dma_start3A_100 = arith.constant 0 : i32
      %dma_start3A_101 = tpu.memref_slice %arg14[%dma_start3A_99, %dma_start3A_100] : memref<10112x128xf32, #tpu.memory_space<vmem_shared>> -> memref<10112x128xf32, #tpu.memory_space<vmem_shared>>
      tpu.enqueue_indirect_dma source(%arg13 : memref<64x128xf32, #tpu.memory_space<vmem>>) target(%dma_start3A_101 : memref<10112x128xf32, #tpu.memory_space<vmem_shared>>) offsets(%arg10 : memref<64xi32, #tpu.memory_space<vmem>>) semaphore(%arg20 : memref<!tpu.dma_semaphore, #tpu.memory_space<semaphore_mem>>) {add = true}
      %dma_wait3A_102 = arith.constant 0 : i32
      %dma_wait3A_103 = arith.constant 0 : i32
      %dma_wait3A_104 = tpu.memref_slice %arg4[%dma_wait3A_102, %dma_wait3A_103] : memref<10000x128xf32, #tpu.memory_space<hbm>> -> memref<64x128xf32, #tpu.memory_space<hbm>>
      %dma_wait3A_105 = arith.constant 0 : i32
      %dma_wait3A_106 = arith.constant 0 : i32
      %dma_wait3A_107 = tpu.memref_slice %arg4[%dma_wait3A_105, %dma_wait3A_106] : memref<10000x128xf32, #tpu.memory_space<hbm>> -> memref<64x128xf32, #tpu.memory_space<hbm>>
      tpu.wait_dma2 semaphore(%arg19 : memref<!tpu.dma_semaphore, #tpu.memory_space<semaphore_mem>>) src(%dma_wait3A_107 : memref<64x128xf32, #tpu.memory_space<hbm>>) dst(%arg12 : memref<64x128xf32, #tpu.memory_space<vmem>>)
      %lt3A_108 = arith.constant 49 : i32
      %lt3A_109 = arith.cmpi slt, %scan3A_37, %lt3A_108 : i32
      %convert_element_type3A_110 = arith.extui %lt3A_109 : i1 to i32
      %cond3A_111 = arith.constant 0 : i32
      %cond3A_112 = arith.cmpi ne, %convert_element_type3A_110, %cond3A_111 : i32
      scf.if %cond3A_112 {
        %add3A_113 = arith.constant 200 : i32
        %add3A_114 = arith.addi %mul3A_39, %add3A_113 : i32
        %add3A_115 = arith.addi %mul3A_4, %add3A_114 : i32
        %add3A_116 = arith.constant 72 : i32
        %add3A_117 = arith.addi %add3A_115, %add3A_116 : i32
        %dma_start3A_118 = tpu.memref_slice %arg3[%add3A_117] : memref<320000xi32, #tpu.memory_space<hbm>> -> memref<64xi32, #tpu.memory_space<hbm>>
        %dma_start3A_119 = tpu.memref_slice %arg3[%add3A_117] : memref<320000xi32, #tpu.memory_space<hbm>> -> memref<64xi32, #tpu.memory_space<hbm>>
        tpu.enqueue_dma source(%dma_start3A_119 : memref<64xi32, #tpu.memory_space<hbm>>) target(%arg9 : memref<64xi32, #tpu.memory_space<vmem>>) target_semaphore(%arg16 : memref<!tpu.dma_semaphore, #tpu.memory_space<semaphore_mem>>)
        %add3A_120 = arith.constant 72 : i32
        %add3A_121 = arith.addi %add3A_114, %add3A_120 : i32
        %dma_start3A_122 = tpu.memref_slice %arg7[%add3A_121] : memref<10000xi32, #tpu.memory_space<vmem>> -> memref<64xi32, #tpu.memory_space<vmem>>
        %dma_start3A_123 = arith.constant 0 : i32
        %dma_start3A_124 = arith.constant 0 : i32
        %dma_start3A_125 = tpu.memref_slice %arg4[%dma_start3A_123, %dma_start3A_124] : memref<10000x128xf32, #tpu.memory_space<hbm>> -> memref<10000x128xf32, #tpu.memory_space<hbm>>
        tpu.enqueue_indirect_dma source(%dma_start3A_125 : memref<10000x128xf32, #tpu.memory_space<hbm>>) target(%arg12 : memref<64x128xf32, #tpu.memory_space<vmem>>) offsets(%dma_start3A_122 : memref<64xi32, #tpu.memory_space<vmem>>) semaphore(%arg16 : memref<!tpu.dma_semaphore, #tpu.memory_space<semaphore_mem>>)
      } else {
      }
    }
    %scan3A_30 = arith.constant 50 : i32
    %dma_wait3A = arith.constant 0 : i32
    %dma_wait3A_31 = arith.constant 0 : i32
    %dma_wait3A_32 = tpu.memref_slice %arg4[%dma_wait3A, %dma_wait3A_31] : memref<10000x128xf32, #tpu.memory_space<hbm>> -> memref<64x128xf32, #tpu.memory_space<hbm>>
    %dma_wait3A_33 = arith.constant 0 : i32
    %dma_wait3A_34 = arith.constant 0 : i32
    %dma_wait3A_35 = tpu.memref_slice %arg4[%dma_wait3A_33, %dma_wait3A_34] : memref<10000x128xf32, #tpu.memory_space<hbm>> -> memref<64x128xf32, #tpu.memory_space<hbm>>
    tpu.wait_dma2 semaphore(%arg20 : memref<!tpu.dma_semaphore, #tpu.memory_space<semaphore_mem>>) src(%dma_wait3A_35 : memref<64x128xf32, #tpu.memory_space<hbm>>) dst(%arg13 : memref<64x128xf32, #tpu.memory_space<vmem>>)
    %barrier3A_36 = arith.constant 0 : index
    tpu.barrier barrier_id(%barrier3A_36)
    "tpu.region"() ({
      %run_scoped3A = tpu.sem_alloc : memref<!tpu.dma_semaphore, #tpu.memory_space<semaphore_mem>>
      %dma_start3A_37 = arith.constant 0 : i32
      %dma_start3A_38 = arith.constant 0 : i32
      %dma_start3A_39 = tpu.memref_slice %arg6[%arg0, %dma_start3A_37, %dma_start3A_38] : memref<2x10112x128xf32, #tpu.memory_space<hbm>> -> memref<1x10112x128xf32, #tpu.memory_space<hbm>>
      %dma_start3A_40 = tpu.memref_squeeze %dma_start3A_39 : memref<1x10112x128xf32, #tpu.memory_space<hbm>> -> memref<10112x128xf32, #tpu.memory_space<hbm>>
      %dma_start3A_41 = arith.constant 0 : i32
      %dma_start3A_42 = tpu.memref_slice %dma_start3A_40[%mul3A_2, %dma_start3A_41] : memref<10112x128xf32, #tpu.memory_space<hbm>> -> memref<632x128xf32, #tpu.memory_space<hbm>>
      %dma_start3A_43 = arith.constant 0 : i32
      %dma_start3A_44 = tpu.memref_slice %arg14[%mul3A_2, %dma_start3A_43] : memref<10112x128xf32, #tpu.memory_space<vmem_shared>> -> memref<632x128xf32, #tpu.memory_space<vmem_shared>>
      tpu.enqueue_dma source(%dma_start3A_44 : memref<632x128xf32, #tpu.memory_space<vmem_shared>>) target(%dma_start3A_42 : memref<632x128xf32, #tpu.memory_space<hbm>>) target_semaphore(%run_scoped3A : memref<!tpu.dma_semaphore, #tpu.memory_space<semaphore_mem>>)
      %dma_wait3A_45 = arith.constant 0 : i32
      %dma_wait3A_46 = arith.constant 0 : i32
      %dma_wait3A_47 = tpu.memref_slice %arg6[%arg0, %dma_wait3A_45, %dma_wait3A_46] : memref<2x10112x128xf32, #tpu.memory_space<hbm>> -> memref<1x10112x128xf32, #tpu.memory_space<hbm>>
      %dma_wait3A_48 = tpu.memref_squeeze %dma_wait3A_47 : memref<1x10112x128xf32, #tpu.memory_space<hbm>> -> memref<10112x128xf32, #tpu.memory_space<hbm>>
      %dma_wait3A_49 = arith.constant 0 : i32
      %dma_wait3A_50 = tpu.memref_slice %dma_wait3A_48[%mul3A_2, %dma_wait3A_49] : memref<10112x128xf32, #tpu.memory_space<hbm>> -> memref<632x128xf32, #tpu.memory_space<hbm>>
      %dma_wait3A_51 = arith.constant 0 : i32
      %dma_wait3A_52 = tpu.memref_slice %arg14[%mul3A_2, %dma_wait3A_51] : memref<10112x128xf32, #tpu.memory_space<vmem_shared>> -> memref<632x128xf32, #tpu.memory_space<vmem_shared>>
      tpu.wait_dma2 semaphore(%run_scoped3A : memref<!tpu.dma_semaphore, #tpu.memory_space<semaphore_mem>>) src(%dma_wait3A_52 : memref<632x128xf32, #tpu.memory_space<vmem_shared>>) dst(%dma_wait3A_50 : memref<632x128xf32, #tpu.memory_space<hbm>>)
      tpu.yield
    }) : () -> ()
    return
  }
}

#map = affine_map<(d0, d1) -> (0)>
#map1 = affine_map<(d0, d1) -> (0, 0)>
#map2 = affine_map<(d0, d1) -> (0, 0, 0)>
module attributes {stable_mosaic.version = 14 : i64} {
  func.func @deg_kernel(%arg0: i32, %arg1: i32, %arg2: memref<320000xi32, #tpu.memory_space<hbm>>, %arg3: memref<632x16xf32, #tpu.memory_space<hbm>>, %arg4: memref<80x16xf32, #tpu.memory_space<hbm>>, %arg5: memref<2x10112x16xf32, #tpu.memory_space<hbm>>, %arg6: memref<80xi32, #tpu.memory_space<vmem>>, %arg7: memref<80xi32, #tpu.memory_space<vmem>>, %arg8: memref<80xi32, #tpu.memory_space<vmem>>, %arg9: memref<80xi32, #tpu.memory_space<vmem>>, %arg10: memref<80xi32, #tpu.memory_space<vmem>>, %arg11: memref<80x16xf32, #tpu.memory_space<vmem>>, %arg12: memref<10112x16xf32, #tpu.memory_space<vmem_shared>>, %arg13: memref<!tpu.dma_semaphore, #tpu.memory_space<semaphore_mem>>, %arg14: memref<!tpu.dma_semaphore, #tpu.memory_space<semaphore_mem>>, %arg15: memref<!tpu.dma_semaphore, #tpu.memory_space<semaphore_mem>>, %arg16: memref<!tpu.dma_semaphore, #tpu.memory_space<semaphore_mem>>) attributes {dimension_semantics = [#tpu.dimension_semantics<core_parallel>, #tpu.dimension_semantics<subcore_parallel>], iteration_bounds = array<i64: 2, 16>, scalar_prefetch = 0 : i64, scratch_operands = 11 : i64, tpu.core_type = #tpu.core_type<sc_vector_subcore>, window_params = [{transform_indices = #map}, {transform_indices = #map1}, {transform_indices = #map1}, {transform_indices = #map2}]} {
    %mul3A = arith.constant 16 : i32
    %mul3A_0 = arith.muli %arg0, %mul3A : i32
    %add3A = arith.addi %mul3A_0, %arg1 : i32
    %mul3A_1 = arith.constant 632 : i32
    %mul3A_2 = arith.muli %arg1, %mul3A_1 : i32
    "tpu.region"() ({
      %run_scoped3A = tpu.sem_alloc : memref<!tpu.dma_semaphore, #tpu.memory_space<semaphore_mem>>
      %dma_start3A_22 = arith.constant 0 : i32
      %dma_start3A_23 = tpu.memref_slice %arg12[%mul3A_2, %dma_start3A_22] : memref<10112x16xf32, #tpu.memory_space<vmem_shared>> -> memref<632x16xf32, #tpu.memory_space<vmem_shared>>
      tpu.enqueue_dma source(%arg3 : memref<632x16xf32, #tpu.memory_space<hbm>>) target(%dma_start3A_23 : memref<632x16xf32, #tpu.memory_space<vmem_shared>>) target_semaphore(%run_scoped3A : memref<!tpu.dma_semaphore, #tpu.memory_space<semaphore_mem>>)
      %dma_wait3A = arith.constant 0 : i32
      %dma_wait3A_24 = tpu.memref_slice %arg12[%mul3A_2, %dma_wait3A] : memref<10112x16xf32, #tpu.memory_space<vmem_shared>> -> memref<632x16xf32, #tpu.memory_space<vmem_shared>>
      tpu.wait_dma2 semaphore(%run_scoped3A : memref<!tpu.dma_semaphore, #tpu.memory_space<semaphore_mem>>) src(%arg3 : memref<632x16xf32, #tpu.memory_space<hbm>>) dst(%dma_wait3A_24 : memref<632x16xf32, #tpu.memory_space<vmem_shared>>)
      tpu.yield
    }) : () -> ()
    "tpu.region"() ({
      %run_scoped3A = tpu.sem_alloc : memref<!tpu.dma_semaphore, #tpu.memory_space<semaphore_mem>>
      tpu.enqueue_dma source(%arg4 : memref<80x16xf32, #tpu.memory_space<hbm>>) target(%arg11 : memref<80x16xf32, #tpu.memory_space<vmem>>) target_semaphore(%run_scoped3A : memref<!tpu.dma_semaphore, #tpu.memory_space<semaphore_mem>>)
      tpu.wait_dma2 semaphore(%run_scoped3A : memref<!tpu.dma_semaphore, #tpu.memory_space<semaphore_mem>>) src(%arg4 : memref<80x16xf32, #tpu.memory_space<hbm>>) dst(%arg11 : memref<80x16xf32, #tpu.memory_space<vmem>>)
      tpu.yield
    }) : () -> ()
    %barrier3A = arith.constant 0 : index
    tpu.barrier barrier_id(%barrier3A)
    %mul3A_3 = arith.constant 10000 : i32
    %mul3A_4 = arith.muli %add3A, %mul3A_3 : i32
    %add3A_5 = arith.constant 0 : i32
    %add3A_6 = arith.addi %mul3A_4, %add3A_5 : i32
    %dma_start3A = tpu.memref_slice %arg2[%add3A_6] : memref<320000xi32, #tpu.memory_space<hbm>> -> memref<80xi32, #tpu.memory_space<hbm>>
    %dma_start3A_7 = tpu.memref_slice %arg2[%add3A_6] : memref<320000xi32, #tpu.memory_space<hbm>> -> memref<80xi32, #tpu.memory_space<hbm>>
    tpu.enqueue_dma source(%dma_start3A_7 : memref<80xi32, #tpu.memory_space<hbm>>) target(%arg6 : memref<80xi32, #tpu.memory_space<vmem>>) target_semaphore(%arg13 : memref<!tpu.dma_semaphore, #tpu.memory_space<semaphore_mem>>)
    %add3A_8 = arith.constant 80 : i32
    %add3A_9 = arith.addi %mul3A_4, %add3A_8 : i32
    %dma_start3A_10 = tpu.memref_slice %arg2[%add3A_9] : memref<320000xi32, #tpu.memory_space<hbm>> -> memref<80xi32, #tpu.memory_space<hbm>>
    %dma_start3A_11 = tpu.memref_slice %arg2[%add3A_9] : memref<320000xi32, #tpu.memory_space<hbm>> -> memref<80xi32, #tpu.memory_space<hbm>>
    tpu.enqueue_dma source(%dma_start3A_11 : memref<80xi32, #tpu.memory_space<hbm>>) target(%arg7 : memref<80xi32, #tpu.memory_space<vmem>>) target_semaphore(%arg13 : memref<!tpu.dma_semaphore, #tpu.memory_space<semaphore_mem>>)
    %add3A_12 = arith.constant 160 : i32
    %add3A_13 = arith.addi %mul3A_4, %add3A_12 : i32
    %dma_start3A_14 = tpu.memref_slice %arg2[%add3A_13] : memref<320000xi32, #tpu.memory_space<hbm>> -> memref<80xi32, #tpu.memory_space<hbm>>
    %dma_start3A_15 = tpu.memref_slice %arg2[%add3A_13] : memref<320000xi32, #tpu.memory_space<hbm>> -> memref<80xi32, #tpu.memory_space<hbm>>
    tpu.enqueue_dma source(%dma_start3A_15 : memref<80xi32, #tpu.memory_space<hbm>>) target(%arg8 : memref<80xi32, #tpu.memory_space<vmem>>) target_semaphore(%arg13 : memref<!tpu.dma_semaphore, #tpu.memory_space<semaphore_mem>>)
    %scan3A = arith.constant 0 : i32
    %scan3A_16 = arith.constant 0 : i32
    %scan3A_17 = arith.constant 25 : i32
    %scan3A_18 = arith.addi %scan3A_16, %scan3A_17 : i32
    %scan3A_19 = arith.constant 1 : i32
    scf.for %scan3A_22 = %scan3A_16 to %scan3A_18 step %scan3A_19  : i32 {
      %mul3A_23 = arith.constant 5 : i32
      %mul3A_24 = arith.muli %scan3A_22, %mul3A_23 : i32
      %gt3A = arith.constant 0 : i32
      %gt3A_25 = arith.cmpi sgt, %scan3A_22, %gt3A : i32
      %convert_element_type3A = arith.extui %gt3A_25 : i1 to i32
      %cond3A = arith.constant 0 : i32
      %cond3A_26 = arith.cmpi ne, %convert_element_type3A, %cond3A : i32
      scf.if %cond3A_26 {
        tpu.wait_dma2 semaphore(%arg16 : memref<!tpu.dma_semaphore, #tpu.memory_space<semaphore_mem>>) src(%arg4 : memref<80x16xf32, #tpu.memory_space<hbm>>) dst(%arg11 : memref<80x16xf32, #tpu.memory_space<vmem>>)
        tpu.wait_dma2 semaphore(%arg16 : memref<!tpu.dma_semaphore, #tpu.memory_space<semaphore_mem>>) src(%arg4 : memref<80x16xf32, #tpu.memory_space<hbm>>) dst(%arg11 : memref<80x16xf32, #tpu.memory_space<vmem>>)
      } else {
      }
      %add3A_27 = arith.constant 3 : i32
      %add3A_28 = arith.addi %mul3A_24, %add3A_27 : i32
      %add3A_29 = arith.constant 0 : i32
      %add3A_30 = arith.addi %add3A_28, %add3A_29 : i32
      %mul3A_31 = arith.constant 80 : i32
      %mul3A_32 = arith.muli %add3A_30, %mul3A_31 : i32
      %add3A_33 = arith.addi %mul3A_4, %mul3A_32 : i32
      %dma_start3A_34 = tpu.memref_slice %arg2[%add3A_33] : memref<320000xi32, #tpu.memory_space<hbm>> -> memref<80xi32, #tpu.memory_space<hbm>>
      %dma_start3A_35 = tpu.memref_slice %arg2[%add3A_33] : memref<320000xi32, #tpu.memory_space<hbm>> -> memref<80xi32, #tpu.memory_space<hbm>>
      tpu.enqueue_dma source(%dma_start3A_35 : memref<80xi32, #tpu.memory_space<hbm>>) target(%arg9 : memref<80xi32, #tpu.memory_space<vmem>>) target_semaphore(%arg14 : memref<!tpu.dma_semaphore, #tpu.memory_space<semaphore_mem>>)
      %add3A_36 = arith.constant 1 : i32
      %add3A_37 = arith.addi %add3A_28, %add3A_36 : i32
      %mul3A_38 = arith.constant 80 : i32
      %mul3A_39 = arith.muli %add3A_37, %mul3A_38 : i32
      %add3A_40 = arith.addi %mul3A_4, %mul3A_39 : i32
      %dma_start3A_41 = tpu.memref_slice %arg2[%add3A_40] : memref<320000xi32, #tpu.memory_space<hbm>> -> memref<80xi32, #tpu.memory_space<hbm>>
      %dma_start3A_42 = tpu.memref_slice %arg2[%add3A_40] : memref<320000xi32, #tpu.memory_space<hbm>> -> memref<80xi32, #tpu.memory_space<hbm>>
      tpu.enqueue_dma source(%dma_start3A_42 : memref<80xi32, #tpu.memory_space<hbm>>) target(%arg10 : memref<80xi32, #tpu.memory_space<vmem>>) target_semaphore(%arg14 : memref<!tpu.dma_semaphore, #tpu.memory_space<semaphore_mem>>)
      %dma_wait3A = arith.constant 0 : i32
      %dma_wait3A_43 = tpu.memref_slice %arg2[%dma_wait3A] : memref<320000xi32, #tpu.memory_space<hbm>> -> memref<80xi32, #tpu.memory_space<hbm>>
      %dma_wait3A_44 = arith.constant 0 : i32
      %dma_wait3A_45 = tpu.memref_slice %arg2[%dma_wait3A_44] : memref<320000xi32, #tpu.memory_space<hbm>> -> memref<80xi32, #tpu.memory_space<hbm>>
      tpu.wait_dma2 semaphore(%arg13 : memref<!tpu.dma_semaphore, #tpu.memory_space<semaphore_mem>>) src(%dma_wait3A_45 : memref<80xi32, #tpu.memory_space<hbm>>) dst(%arg6 : memref<80xi32, #tpu.memory_space<vmem>>)
      %dma_wait3A_46 = arith.constant 0 : i32
      %dma_wait3A_47 = tpu.memref_slice %arg2[%dma_wait3A_46] : memref<320000xi32, #tpu.memory_space<hbm>> -> memref<80xi32, #tpu.memory_space<hbm>>
      %dma_wait3A_48 = arith.constant 0 : i32
      %dma_wait3A_49 = tpu.memref_slice %arg2[%dma_wait3A_48] : memref<320000xi32, #tpu.memory_space<hbm>> -> memref<80xi32, #tpu.memory_space<hbm>>
      tpu.wait_dma2 semaphore(%arg13 : memref<!tpu.dma_semaphore, #tpu.memory_space<semaphore_mem>>) src(%dma_wait3A_49 : memref<80xi32, #tpu.memory_space<hbm>>) dst(%arg7 : memref<80xi32, #tpu.memory_space<vmem>>)
      %dma_wait3A_50 = arith.constant 0 : i32
      %dma_wait3A_51 = tpu.memref_slice %arg2[%dma_wait3A_50] : memref<320000xi32, #tpu.memory_space<hbm>> -> memref<80xi32, #tpu.memory_space<hbm>>
      %dma_wait3A_52 = arith.constant 0 : i32
      %dma_wait3A_53 = tpu.memref_slice %arg2[%dma_wait3A_52] : memref<320000xi32, #tpu.memory_space<hbm>> -> memref<80xi32, #tpu.memory_space<hbm>>
      tpu.wait_dma2 semaphore(%arg13 : memref<!tpu.dma_semaphore, #tpu.memory_space<semaphore_mem>>) src(%dma_wait3A_53 : memref<80xi32, #tpu.memory_space<hbm>>) dst(%arg8 : memref<80xi32, #tpu.memory_space<vmem>>)
      %dma_start3A_54 = arith.constant 0 : i32
      %dma_start3A_55 = arith.constant 0 : i32
      %dma_start3A_56 = tpu.memref_slice %arg12[%dma_start3A_54, %dma_start3A_55] : memref<10112x16xf32, #tpu.memory_space<vmem_shared>> -> memref<10112x16xf32, #tpu.memory_space<vmem_shared>>
      tpu.enqueue_indirect_dma source(%arg11 : memref<80x16xf32, #tpu.memory_space<vmem>>) target(%dma_start3A_56 : memref<10112x16xf32, #tpu.memory_space<vmem_shared>>) offsets(%arg6 : memref<80xi32, #tpu.memory_space<vmem>>) semaphore(%arg15 : memref<!tpu.dma_semaphore, #tpu.memory_space<semaphore_mem>>) {add = true}
      %dma_start3A_57 = arith.constant 0 : i32
      %dma_start3A_58 = arith.constant 0 : i32
      %dma_start3A_59 = tpu.memref_slice %arg12[%dma_start3A_57, %dma_start3A_58] : memref<10112x16xf32, #tpu.memory_space<vmem_shared>> -> memref<10112x16xf32, #tpu.memory_space<vmem_shared>>
      tpu.enqueue_indirect_dma source(%arg11 : memref<80x16xf32, #tpu.memory_space<vmem>>) target(%dma_start3A_59 : memref<10112x16xf32, #tpu.memory_space<vmem_shared>>) offsets(%arg7 : memref<80xi32, #tpu.memory_space<vmem>>) semaphore(%arg15 : memref<!tpu.dma_semaphore, #tpu.memory_space<semaphore_mem>>) {add = true}
      %dma_start3A_60 = arith.constant 0 : i32
      %dma_start3A_61 = arith.constant 0 : i32
      %dma_start3A_62 = tpu.memref_slice %arg12[%dma_start3A_60, %dma_start3A_61] : memref<10112x16xf32, #tpu.memory_space<vmem_shared>> -> memref<10112x16xf32, #tpu.memory_space<vmem_shared>>
      tpu.enqueue_indirect_dma source(%arg11 : memref<80x16xf32, #tpu.memory_space<vmem>>) target(%dma_start3A_62 : memref<10112x16xf32, #tpu.memory_space<vmem_shared>>) offsets(%arg8 : memref<80xi32, #tpu.memory_space<vmem>>) semaphore(%arg15 : memref<!tpu.dma_semaphore, #tpu.memory_space<semaphore_mem>>) {add = true}
      tpu.wait_dma2 semaphore(%arg15 : memref<!tpu.dma_semaphore, #tpu.memory_space<semaphore_mem>>) src(%arg4 : memref<80x16xf32, #tpu.memory_space<hbm>>) dst(%arg11 : memref<80x16xf32, #tpu.memory_space<vmem>>)
      tpu.wait_dma2 semaphore(%arg15 : memref<!tpu.dma_semaphore, #tpu.memory_space<semaphore_mem>>) src(%arg4 : memref<80x16xf32, #tpu.memory_space<hbm>>) dst(%arg11 : memref<80x16xf32, #tpu.memory_space<vmem>>)
      tpu.wait_dma2 semaphore(%arg15 : memref<!tpu.dma_semaphore, #tpu.memory_space<semaphore_mem>>) src(%arg4 : memref<80x16xf32, #tpu.memory_space<hbm>>) dst(%arg11 : memref<80x16xf32, #tpu.memory_space<vmem>>)
      %lt3A = arith.constant 24 : i32
      %lt3A_63 = arith.cmpi slt, %scan3A_22, %lt3A : i32
      %convert_element_type3A_64 = arith.extui %lt3A_63 : i1 to i32
      %cond3A_65 = arith.constant 0 : i32
      %cond3A_66 = arith.cmpi ne, %convert_element_type3A_64, %cond3A_65 : i32
      scf.if %cond3A_66 {
        %add3A_81 = arith.constant 5 : i32
        %add3A_82 = arith.addi %mul3A_24, %add3A_81 : i32
        %add3A_83 = arith.constant 0 : i32
        %add3A_84 = arith.addi %add3A_82, %add3A_83 : i32
        %mul3A_85 = arith.constant 80 : i32
        %mul3A_86 = arith.muli %add3A_84, %mul3A_85 : i32
        %add3A_87 = arith.addi %mul3A_4, %mul3A_86 : i32
        %dma_start3A_88 = tpu.memref_slice %arg2[%add3A_87] : memref<320000xi32, #tpu.memory_space<hbm>> -> memref<80xi32, #tpu.memory_space<hbm>>
        %dma_start3A_89 = tpu.memref_slice %arg2[%add3A_87] : memref<320000xi32, #tpu.memory_space<hbm>> -> memref<80xi32, #tpu.memory_space<hbm>>
        tpu.enqueue_dma source(%dma_start3A_89 : memref<80xi32, #tpu.memory_space<hbm>>) target(%arg6 : memref<80xi32, #tpu.memory_space<vmem>>) target_semaphore(%arg13 : memref<!tpu.dma_semaphore, #tpu.memory_space<semaphore_mem>>)
        %add3A_90 = arith.constant 1 : i32
        %add3A_91 = arith.addi %add3A_82, %add3A_90 : i32
        %mul3A_92 = arith.constant 80 : i32
        %mul3A_93 = arith.muli %add3A_91, %mul3A_92 : i32
        %add3A_94 = arith.addi %mul3A_4, %mul3A_93 : i32
        %dma_start3A_95 = tpu.memref_slice %arg2[%add3A_94] : memref<320000xi32, #tpu.memory_space<hbm>> -> memref<80xi32, #tpu.memory_space<hbm>>
        %dma_start3A_96 = tpu.memref_slice %arg2[%add3A_94] : memref<320000xi32, #tpu.memory_space<hbm>> -> memref<80xi32, #tpu.memory_space<hbm>>
        tpu.enqueue_dma source(%dma_start3A_96 : memref<80xi32, #tpu.memory_space<hbm>>) target(%arg7 : memref<80xi32, #tpu.memory_space<vmem>>) target_semaphore(%arg13 : memref<!tpu.dma_semaphore, #tpu.memory_space<semaphore_mem>>)
        %add3A_97 = arith.constant 2 : i32
        %add3A_98 = arith.addi %add3A_82, %add3A_97 : i32
        %mul3A_99 = arith.constant 80 : i32
        %mul3A_100 = arith.muli %add3A_98, %mul3A_99 : i32
        %add3A_101 = arith.addi %mul3A_4, %mul3A_100 : i32
        %dma_start3A_102 = tpu.memref_slice %arg2[%add3A_101] : memref<320000xi32, #tpu.memory_space<hbm>> -> memref<80xi32, #tpu.memory_space<hbm>>
        %dma_start3A_103 = tpu.memref_slice %arg2[%add3A_101] : memref<320000xi32, #tpu.memory_space<hbm>> -> memref<80xi32, #tpu.memory_space<hbm>>
        tpu.enqueue_dma source(%dma_start3A_103 : memref<80xi32, #tpu.memory_space<hbm>>) target(%arg8 : memref<80xi32, #tpu.memory_space<vmem>>) target_semaphore(%arg13 : memref<!tpu.dma_semaphore, #tpu.memory_space<semaphore_mem>>)
      } else {
      }
      %dma_wait3A_67 = arith.constant 0 : i32
      %dma_wait3A_68 = tpu.memref_slice %arg2[%dma_wait3A_67] : memref<320000xi32, #tpu.memory_space<hbm>> -> memref<80xi32, #tpu.memory_space<hbm>>
      %dma_wait3A_69 = arith.constant 0 : i32
      %dma_wait3A_70 = tpu.memref_slice %arg2[%dma_wait3A_69] : memref<320000xi32, #tpu.memory_space<hbm>> -> memref<80xi32, #tpu.memory_space<hbm>>
      tpu.wait_dma2 semaphore(%arg14 : memref<!tpu.dma_semaphore, #tpu.memory_space<semaphore_mem>>) src(%dma_wait3A_70 : memref<80xi32, #tpu.memory_space<hbm>>) dst(%arg9 : memref<80xi32, #tpu.memory_space<vmem>>)
      %dma_wait3A_71 = arith.constant 0 : i32
      %dma_wait3A_72 = tpu.memref_slice %arg2[%dma_wait3A_71] : memref<320000xi32, #tpu.memory_space<hbm>> -> memref<80xi32, #tpu.memory_space<hbm>>
      %dma_wait3A_73 = arith.constant 0 : i32
      %dma_wait3A_74 = tpu.memref_slice %arg2[%dma_wait3A_73] : memref<320000xi32, #tpu.memory_space<hbm>> -> memref<80xi32, #tpu.memory_space<hbm>>
      tpu.wait_dma2 semaphore(%arg14 : memref<!tpu.dma_semaphore, #tpu.memory_space<semaphore_mem>>) src(%dma_wait3A_74 : memref<80xi32, #tpu.memory_space<hbm>>) dst(%arg10 : memref<80xi32, #tpu.memory_space<vmem>>)
      %dma_start3A_75 = arith.constant 0 : i32
      %dma_start3A_76 = arith.constant 0 : i32
      %dma_start3A_77 = tpu.memref_slice %arg12[%dma_start3A_75, %dma_start3A_76] : memref<10112x16xf32, #tpu.memory_space<vmem_shared>> -> memref<10112x16xf32, #tpu.memory_space<vmem_shared>>
      tpu.enqueue_indirect_dma source(%arg11 : memref<80x16xf32, #tpu.memory_space<vmem>>) target(%dma_start3A_77 : memref<10112x16xf32, #tpu.memory_space<vmem_shared>>) offsets(%arg9 : memref<80xi32, #tpu.memory_space<vmem>>) semaphore(%arg16 : memref<!tpu.dma_semaphore, #tpu.memory_space<semaphore_mem>>) {add = true}
      %dma_start3A_78 = arith.constant 0 : i32
      %dma_start3A_79 = arith.constant 0 : i32
      %dma_start3A_80 = tpu.memref_slice %arg12[%dma_start3A_78, %dma_start3A_79] : memref<10112x16xf32, #tpu.memory_space<vmem_shared>> -> memref<10112x16xf32, #tpu.memory_space<vmem_shared>>
      tpu.enqueue_indirect_dma source(%arg11 : memref<80x16xf32, #tpu.memory_space<vmem>>) target(%dma_start3A_80 : memref<10112x16xf32, #tpu.memory_space<vmem_shared>>) offsets(%arg10 : memref<80xi32, #tpu.memory_space<vmem>>) semaphore(%arg16 : memref<!tpu.dma_semaphore, #tpu.memory_space<semaphore_mem>>) {add = true}
    }
    %scan3A_20 = arith.constant 25 : i32
    tpu.wait_dma2 semaphore(%arg16 : memref<!tpu.dma_semaphore, #tpu.memory_space<semaphore_mem>>) src(%arg4 : memref<80x16xf32, #tpu.memory_space<hbm>>) dst(%arg11 : memref<80x16xf32, #tpu.memory_space<vmem>>)
    tpu.wait_dma2 semaphore(%arg16 : memref<!tpu.dma_semaphore, #tpu.memory_space<semaphore_mem>>) src(%arg4 : memref<80x16xf32, #tpu.memory_space<hbm>>) dst(%arg11 : memref<80x16xf32, #tpu.memory_space<vmem>>)
    %barrier3A_21 = arith.constant 0 : index
    tpu.barrier barrier_id(%barrier3A_21)
    "tpu.region"() ({
      %run_scoped3A = tpu.sem_alloc : memref<!tpu.dma_semaphore, #tpu.memory_space<semaphore_mem>>
      %dma_start3A_22 = arith.constant 0 : i32
      %dma_start3A_23 = arith.constant 0 : i32
      %dma_start3A_24 = tpu.memref_slice %arg5[%arg0, %dma_start3A_22, %dma_start3A_23] : memref<2x10112x16xf32, #tpu.memory_space<hbm>> -> memref<1x10112x16xf32, #tpu.memory_space<hbm>>
      %dma_start3A_25 = tpu.memref_squeeze %dma_start3A_24 : memref<1x10112x16xf32, #tpu.memory_space<hbm>> -> memref<10112x16xf32, #tpu.memory_space<hbm>>
      %dma_start3A_26 = arith.constant 0 : i32
      %dma_start3A_27 = tpu.memref_slice %dma_start3A_25[%mul3A_2, %dma_start3A_26] : memref<10112x16xf32, #tpu.memory_space<hbm>> -> memref<632x16xf32, #tpu.memory_space<hbm>>
      %dma_start3A_28 = arith.constant 0 : i32
      %dma_start3A_29 = tpu.memref_slice %arg12[%mul3A_2, %dma_start3A_28] : memref<10112x16xf32, #tpu.memory_space<vmem_shared>> -> memref<632x16xf32, #tpu.memory_space<vmem_shared>>
      tpu.enqueue_dma source(%dma_start3A_29 : memref<632x16xf32, #tpu.memory_space<vmem_shared>>) target(%dma_start3A_27 : memref<632x16xf32, #tpu.memory_space<hbm>>) target_semaphore(%run_scoped3A : memref<!tpu.dma_semaphore, #tpu.memory_space<semaphore_mem>>)
      %dma_wait3A = arith.constant 0 : i32
      %dma_wait3A_30 = arith.constant 0 : i32
      %dma_wait3A_31 = tpu.memref_slice %arg5[%arg0, %dma_wait3A, %dma_wait3A_30] : memref<2x10112x16xf32, #tpu.memory_space<hbm>> -> memref<1x10112x16xf32, #tpu.memory_space<hbm>>
      %dma_wait3A_32 = tpu.memref_squeeze %dma_wait3A_31 : memref<1x10112x16xf32, #tpu.memory_space<hbm>> -> memref<10112x16xf32, #tpu.memory_space<hbm>>
      %dma_wait3A_33 = arith.constant 0 : i32
      %dma_wait3A_34 = tpu.memref_slice %dma_wait3A_32[%mul3A_2, %dma_wait3A_33] : memref<10112x16xf32, #tpu.memory_space<hbm>> -> memref<632x16xf32, #tpu.memory_space<hbm>>
      %dma_wait3A_35 = arith.constant 0 : i32
      %dma_wait3A_36 = tpu.memref_slice %arg12[%mul3A_2, %dma_wait3A_35] : memref<10112x16xf32, #tpu.memory_space<vmem_shared>> -> memref<632x16xf32, #tpu.memory_space<vmem_shared>>
      tpu.wait_dma2 semaphore(%run_scoped3A : memref<!tpu.dma_semaphore, #tpu.memory_space<semaphore_mem>>) src(%dma_wait3A_36 : memref<632x16xf32, #tpu.memory_space<vmem_shared>>) dst(%dma_wait3A_34 : memref<632x16xf32, #tpu.memory_space<hbm>>)
      tpu.yield
    }) : () -> ()
    return
  }
}

module attributes {stable_mosaic.version = 14 : i64} {
  func.func @_tc_scale_body(%arg0: i32, %arg1: memref<2000x128xf32, #tpu.memory_space<vmem>>, %arg2: memref<128x128xf32, #tpu.memory_space<vmem>>, %arg3: memref<2x2000x16xf32, #tpu.memory_space<vmem>>, %arg4: memref<2000x128xf32, #tpu.memory_space<vmem>>) attributes {dimension_semantics = [#tpu.dimension_semantics<arbitrary>], iteration_bounds = array<i64: 5>, scalar_prefetch = 0 : i64, scratch_operands = 0 : i64, tpu.core_type = #tpu.core_type<tc>, window_params = [{transform_indices = @transform_0, window_bounds = array<i64: 2000, 128>}, {pipeline_mode = #tpu.pipeline_mode<synchronous>, transform_indices = @transform_1, window_bounds = array<i64: 128, 128>}, {transform_indices = @transform_2, window_bounds = array<i64: 2, 2000, 16>}, {transform_indices = @transform_3, window_bounds = array<i64: 2000, 128>}]} {
    %get3A = arith.constant 0 : index
    %get3A_0 = arith.constant 0 : index
    %get3A_1 = vector.load %arg1[%get3A, %get3A_0] : memref<2000x128xf32, #tpu.memory_space<vmem>>, vector<2000x128xf32>
    %get3A_2 = arith.constant 0 : index
    %get3A_3 = arith.constant 0 : index
    %get3A_4 = vector.load %arg2[%get3A_2, %get3A_3] : memref<128x128xf32, #tpu.memory_space<vmem>>, vector<128x128xf32>
    %dot_general3A = arith.constant dense<0.000000e+00> : vector<2000x128xf32>
    %dot_general3A_5 = tpu.matmul %get3A_1, %get3A_4, %dot_general3A {dimension_numbers = #tpu.dot_dimension_numbers<[1], [0], [0], [1], [0, 0, 1, 1], [], []>, transpose_lhs_hint = false} : vector<2000x128xf32>, vector<128x128xf32>, vector<2000x128xf32> -> vector<2000x128xf32>
    %get3A_6 = arith.constant 0 : index
    %get3A_7 = arith.constant 0 : index
    %get3A_8 = arith.constant 0 : index
    %get3A_9 = vector.load %arg3[%get3A_6, %get3A_7, %get3A_8] : memref<2x2000x16xf32, #tpu.memory_space<vmem>>, vector<1x2000x1xf32>
    %get3A_10 = vector.shape_cast %get3A_9 : vector<1x2000x1xf32> to vector<2000x1xf32>
    %get3A_11 = arith.constant 1 : index
    %get3A_12 = arith.constant 0 : index
    %get3A_13 = arith.constant 0 : index
    %get3A_14 = vector.load %arg3[%get3A_11, %get3A_12, %get3A_13] : memref<2x2000x16xf32, #tpu.memory_space<vmem>>, vector<1x2000x1xf32>
    %get3A_15 = vector.shape_cast %get3A_14 : vector<1x2000x1xf32> to vector<2000x1xf32>
    %add3A = arith.addf %get3A_10, %get3A_15 : vector<2000x1xf32>
    %add3A_16 = arith.constant 1.000000e+00 : f32
    %add3A_17 = vector.broadcast %add3A_16 : f32 to vector<2000x1xf32>
    %add3A_18 = arith.addf %add3A, %add3A_17 : vector<2000x1xf32>
    %rsqrt3A = math.rsqrt %add3A_18 : vector<2000x1xf32>
    %mul3A = vector.broadcast %rsqrt3A : vector<2000x1xf32> to vector<2000x128xf32>
    %mul3A_19 = arith.mulf %dot_general3A_5, %mul3A : vector<2000x128xf32>
    %swap3A = arith.constant 0 : index
    %swap3A_20 = arith.constant 0 : index
    %swap3A_21 = vector.load %arg4[%swap3A, %swap3A_20] : memref<2000x128xf32, #tpu.memory_space<vmem>>, vector<2000x128xf32>
    tpu.vector_store %arg4[%swap3A, %swap3A_20], %mul3A_19 {strides = array<i32>} : memref<2000x128xf32, #tpu.memory_space<vmem>>, vector<2000x128xf32>,
    return
  }
  func.func @transform_0(%arg0: i32) -> (i32, i32) {
    %c0_i32 = arith.constant 0 : i32
    %c0_i32_0 = arith.constant 0 : i32
    return %arg0, %c0_i32 : i32, i32
  }
  func.func @transform_1(%arg0: i32) -> (i32, i32) {
    %c0_i32 = arith.constant 0 : i32
    %c0_i32_0 = arith.constant 0 : i32
    %c0_i32_1 = arith.constant 0 : i32
    return %c0_i32, %c0_i32_0 : i32, i32
  }
  func.func @transform_2(%arg0: i32) -> (i32, i32, i32) {
    %c0_i32 = arith.constant 0 : i32
    %c0_i32_0 = arith.constant 0 : i32
    %c0_i32_1 = arith.constant 0 : i32
    return %c0_i32, %arg0, %c0_i32_0 : i32, i32, i32
  }
  func.func @transform_3(%arg0: i32) -> (i32, i32) {
    %c0_i32 = arith.constant 0 : i32
    %c0_i32_0 = arith.constant 0 : i32
    return %arg0, %c0_i32 : i32, i32
  }
}

module attributes {stable_mosaic.version = 14 : i64} {
  func.func @_tc_final_body(%arg0: i32, %arg1: memref<2x2000x128xf32, #tpu.memory_space<vmem>>, %arg2: memref<2000x128xf32, #tpu.memory_space<vmem>>, %arg3: memref<2x2000x16xf32, #tpu.memory_space<vmem>>, %arg4: memref<1x128xf32, #tpu.memory_space<vmem>>, %arg5: memref<2000x128xf32, #tpu.memory_space<vmem>>) attributes {dimension_semantics = [#tpu.dimension_semantics<arbitrary>], iteration_bounds = array<i64: 5>, scalar_prefetch = 0 : i64, scratch_operands = 0 : i64, tpu.core_type = #tpu.core_type<tc>, window_params = [{transform_indices = @transform_0, window_bounds = array<i64: 2, 2000, 128>}, {transform_indices = @transform_1, window_bounds = array<i64: 2000, 128>}, {transform_indices = @transform_2, window_bounds = array<i64: 2, 2000, 16>}, {pipeline_mode = #tpu.pipeline_mode<synchronous>, transform_indices = @transform_3, window_bounds = array<i64: 1, 128>}, {transform_indices = @transform_4, window_bounds = array<i64: 2000, 128>}]} {
    %get3A = arith.constant 0 : index
    %get3A_0 = arith.constant 0 : index
    %get3A_1 = arith.constant 0 : index
    %get3A_2 = vector.load %arg3[%get3A, %get3A_0, %get3A_1] : memref<2x2000x16xf32, #tpu.memory_space<vmem>>, vector<1x2000x1xf32>
    %get3A_3 = vector.shape_cast %get3A_2 : vector<1x2000x1xf32> to vector<2000x1xf32>
    %get3A_4 = arith.constant 1 : index
    %get3A_5 = arith.constant 0 : index
    %get3A_6 = arith.constant 0 : index
    %get3A_7 = vector.load %arg3[%get3A_4, %get3A_5, %get3A_6] : memref<2x2000x16xf32, #tpu.memory_space<vmem>>, vector<1x2000x1xf32>
    %get3A_8 = vector.shape_cast %get3A_7 : vector<1x2000x1xf32> to vector<2000x1xf32>
    %add3A = arith.addf %get3A_3, %get3A_8 : vector<2000x1xf32>
    %add3A_9 = arith.constant 1.000000e+00 : f32
    %add3A_10 = vector.broadcast %add3A_9 : f32 to vector<2000x1xf32>
    %add3A_11 = arith.addf %add3A, %add3A_10 : vector<2000x1xf32>
    %rsqrt3A = math.rsqrt %add3A_11 : vector<2000x1xf32>
    %get3A_12 = arith.constant 0 : index
    %get3A_13 = arith.constant 0 : index
    %get3A_14 = arith.constant 0 : index
    %get3A_15 = vector.load %arg1[%get3A_12, %get3A_13, %get3A_14] : memref<2x2000x128xf32, #tpu.memory_space<vmem>>, vector<1x2000x128xf32>
    %get3A_16 = vector.shape_cast %get3A_15 : vector<1x2000x128xf32> to vector<2000x128xf32>
    %get3A_17 = arith.constant 1 : index
    %get3A_18 = arith.constant 0 : index
    %get3A_19 = arith.constant 0 : index
    %get3A_20 = vector.load %arg1[%get3A_17, %get3A_18, %get3A_19] : memref<2x2000x128xf32, #tpu.memory_space<vmem>>, vector<1x2000x128xf32>
    %get3A_21 = vector.shape_cast %get3A_20 : vector<1x2000x128xf32> to vector<2000x128xf32>
    %add3A_22 = arith.addf %get3A_16, %get3A_21 : vector<2000x128xf32>
    %get3A_23 = arith.constant 0 : index
    %get3A_24 = arith.constant 0 : index
    %get3A_25 = vector.load %arg2[%get3A_23, %get3A_24] : memref<2000x128xf32, #tpu.memory_space<vmem>>, vector<2000x128xf32>
    %add3A_26 = arith.addf %add3A_22, %get3A_25 : vector<2000x128xf32>
    %mul3A = vector.broadcast %rsqrt3A : vector<2000x1xf32> to vector<2000x128xf32>
    %mul3A_27 = arith.mulf %mul3A, %add3A_26 : vector<2000x128xf32>
    %get3A_28 = arith.constant 0 : index
    %get3A_29 = arith.constant 0 : index
    %get3A_30 = vector.load %arg4[%get3A_28, %get3A_29] : memref<1x128xf32, #tpu.memory_space<vmem>>, vector<1x128xf32>
    %add3A_31 = vector.broadcast %get3A_30 : vector<1x128xf32> to vector<2000x128xf32>
    %add3A_32 = arith.addf %mul3A_27, %add3A_31 : vector<2000x128xf32>
    %max3A = arith.constant 0.000000e+00 : f32
    %max3A_33 = vector.broadcast %max3A : f32 to vector<2000x128xf32>
    %max3A_34 = arith.maximumf %add3A_32, %max3A_33 : vector<2000x128xf32>
    %swap3A = arith.constant 0 : index
    %swap3A_35 = arith.constant 0 : index
    %swap3A_36 = vector.load %arg5[%swap3A, %swap3A_35] : memref<2000x128xf32, #tpu.memory_space<vmem>>, vector<2000x128xf32>
    tpu.vector_store %arg5[%swap3A, %swap3A_35], %max3A_34 {strides = array<i32>} : memref<2000x128xf32, #tpu.memory_space<vmem>>, vector<2000x128xf32>,
    return
  }
  func.func @transform_0(%arg0: i32) -> (i32, i32, i32) {
    %c0_i32 = arith.constant 0 : i32
    %c0_i32_0 = arith.constant 0 : i32
    %c0_i32_1 = arith.constant 0 : i32
    return %c0_i32, %arg0, %c0_i32_0 : i32, i32, i32
  }
  func.func @transform_1(%arg0: i32) -> (i32, i32) {
    %c0_i32 = arith.constant 0 : i32
    %c0_i32_0 = arith.constant 0 : i32
    return %arg0, %c0_i32 : i32, i32
  }
  func.func @transform_2(%arg0: i32) -> (i32, i32, i32) {
    %c0_i32 = arith.constant 0 : i32
    %c0_i32_0 = arith.constant 0 : i32
    %c0_i32_1 = arith.constant 0 : i32
    return %c0_i32, %arg0, %c0_i32_0 : i32, i32, i32
  }
  func.func @transform_3(%arg0: i32) -> (i32, i32) {
    %c0_i32 = arith.constant 0 : i32
    %c0_i32_0 = arith.constant 0 : i32
    %c0_i32_1 = arith.constant 0 : i32
    return %c0_i32, %c0_i32_0 : i32, i32
  }
  func.func @transform_4(%arg0: i32) -> (i32, i32) {
    %c0_i32 = arith.constant 0 : i32
    %c0_i32_0 = arith.constant 0 : i32
    return %arg0, %c0_i32 : i32, i32
  }
}

</mosaic_0001>

<sc_bundles>
// kernel: kernel.6.cloned.1.call-start
scs
__scs_entry_jumppad:
0x0: {  	(pc) =	sbr.rel $0x88, $3  }
0x1: {  	(tag) =	ssettag $0x0;
	lr =	simm.s32 $0x1  }
0x2: {  	[smem:$0x3F9D] =	sst lr;
	_ =	strace $0xD0000000  }
0x3: {  	_ = 	snop  }
0x4: {  	_ = 	snop  }
0x5: {  	_ = 	snop  }
0x6: {  	_ = 	snop  }
0x7: {  	_ = 	snop  }
__scs_overlays_trampoline_lowered:
0x8: {  	[smem:$0x3FAC] =	sst s0  }
0x9: {  	[smem:$0x3FAD] =	sst s1  }
0xa: {  	[smem:$0x3FAE] =	sst s2  }
0xb: {  	[smem:$0x3FAF] =	sst s3  }
0xc: {  	[smem:$0x3FB0] =	sst s4  }
0xd: {  	[smem:$0x3FB1] =	sst s5  }
0xe: {  	[smem:$0x3FB2] =	sst s6  }
0xf: {  	[smem:$0x3FB3] =	sst s7  }
0x10: {  	[smem:$0x3FB4] =	sst s8  }
0x11: {  	[smem:$0x3FB5] =	sst s9;
	s0 =	simm.s32 @!p0 $0x0  }
0x12: {  	s1 =	sld [smem:$0x3F9B];
	s0 =	simm.s32 @p0 $0x1  }
0x13: {  	[smem:$0x3FB6] =	sst s0;
	s0 =	simm.s32 @!p1 $0x0  }
0x14: {  	s2 =	sld [smem:$0x3F9A];
	s0 =	simm.s32 @p1 $0x1  }
0x15: {  	[smem:$0x3FB7] =	sst s0;
	s0 =	simm.s32 @!p2 $0x0  }
0x16: {  	s3 =	sld [smem:$0x3FDB];
	s0 =	simm.s32 @p2 $0x1  }
0x17: {  	s4 =	simm.s32 $0x1BF5;
	[smem:$0x3FB9] =	sst s0  }
0x18: {  	s0 =	sld [smem:$0x3F9C];
	_ =	swait.ge [sflag:s4], $0x0  }
0x19: {  	s7 =	sld [smem:$0x3F9D]  }
0x1a: {  	s8 =	sadd.s32 $0xFFFFE003, lr  }
0x1b: {  	s9 =	sadd.s32 $0xFFFFFEF7, lr;
	s5 =	simm.s32 $0xFFFFFFFF;
	p2 =	slt.u32 s8, $0xFFFFF086  }
0x1c: {  	p1 =	slt.u32 s9, $0xF7A;
	s5 =	simm.s32 @!p2 $0x0  }
0x1d: {  	s5 =	simm.s32 @p1 $0x1;
	p0 =	seq.s32 s7, s2  }
0x1e: {  	s7 =	smul.u32 @!p0 $0xF7A, s2;
	p2 =	seq.s32 @!p0 s5, $0x0  }
0x1f: {  	s9 =	smul.u32 $0xF7A, s1;
	s8 =	simm.s32 @!p0 $0x1BF5;
	p2 =	por !p2, p0  }
0x20: {  	[sflag:s8] =	ssyncset.s32 @!p0 $0xFFFFF086;
	s6 =	sadd.s32 @!p0 s3, s7;
	s7 =	simm.s32 @!p0 $0x108  }
0x21: {  	s3 =	sadd.s32 s3, s9;
	s6 =	sadd.s32 @!p0 $0x88, s6;
	s7 =	simm.s32 @p2 $0x1082  }
0x22: {  	[simem:s7], [sflag:s8] =	dma.local @!p0 [hbm:s6], $0xF7A  }
0x23: {  	s9 =	sor.u32 $0xD0000000, s2;
	s6 =	simm.s32 $0x108;
	_ =	swait.ge @!p0 [sflag:s8], $0x0  }
0x24: {  	s3 =	sadd.s32 $0x88, s3;
	s6 =	simm.s32 @!p1 $0x1082;
	[sflag:s4] =	ssyncset.s32 $0xFFFFF086  }
0x25: {  	[simem:s6], [sflag:s4] =	dma.local [hbm:s3], $0xF7A  }
0x26: {  	[smem:$0x3F9D] =	sst s1;
	(tag) =	ssettag s2;
	_ =	strace s9  }
0x27: {  	s1 =	sld [smem:$0x3FAD]  }
0x28: {  	s2 =	sld [smem:$0x3FAE]  }
0x29: {  	s4 =	sld [smem:$0x3FB0]  }
0x2a: {  	p0 =	seq.s32 s5, $0x0;
	s5 =	sld [smem:$0x3FB1]  }
0x2b: {  	s6 =	sld [smem:$0x3FB2]  }
0x2c: {  	s7 =	sld [smem:$0x3FB3]  }
0x2d: {  	s3 =	simm.s32 $0x108;
	s8 =	sld [smem:$0x3FB4]  }
0x2e: {  	s3 =	simm.s32 @!p0 $0x1082;
	s9 =	sld [smem:$0x3FB5]  }
0x2f: {  	lr =	sadd.s32 s0, s3;
	s0 =	sld [smem:$0x3FAC]  }
0x30: {  	s3 =	sld [smem:$0x3FAF]  }
0x31: {  	[smem:$0x3FB8] =	sst s10  }
0x32: {  	s10 =	sld [smem:$0x3FB6];
	_ =	sdelay $0x3  }
0x33: {  	p0 =	seq.s32 s10, $0x1;
	s10 =	sld [smem:$0x3FB8];
	_ =	sdelay $0x3  }
0x34: {  	[smem:$0x3FB8] =	sst s10  }
0x35: {  	s10 =	sld [smem:$0x3FB7];
	_ =	sdelay $0x3  }
0x36: {  	p1 =	seq.s32 s10, $0x1;
	s10 =	sld [smem:$0x3FB8];
	_ =	sdelay $0x3  }
0x37: {  	[smem:$0x3FB8] =	sst s10  }
0x38: {  	s10 =	sld [smem:$0x3FB9]  }
0x39: {  	_ = 	snop;
	(pc) =	sbr.ind lr, $3  }
0x3a: {  	_ = 	snop  }
0x3b: {  	_ = 	snop  }
0x3c: {  	p2 =	seq.s32 s10, $0x1;
	s10 =	sld [smem:$0x3FB8]  }
0x3d: {  	_ =	shalt  }
0x3e: {  	_ =	shalt  }
0x3f: {  	_ =	shalt  }
0x40: {  	_ =	shalt  }
0x41: {  	_ =	shalt  }
0x42: {  	_ =	shalt  }
0x43: {  	_ =	shalt  }
0x44: {  	_ =	shalt  }
0x45: {  	_ =	shalt  }
0x46: {  	_ =	shalt  }
0x47: {  	_ =	shalt  }
0x48: {  	_ =	shalt  }
0x49: {  	_ =	shalt  }
0x4a: {  	_ =	shalt  }
0x4b: {  	_ =	shalt  }
0x4c: {  	_ =	shalt  }
0x4d: {  	_ =	shalt  }
0x4e: {  	_ =	shalt  }
0x4f: {  	_ =	shalt  }
0x50: {  	_ =	shalt  }
0x51: {  	_ =	shalt  }
0x52: {  	_ =	shalt  }
0x53: {  	_ =	shalt  }
0x54: {  	_ =	shalt  }
0x55: {  	_ =	shalt  }
0x56: {  	_ =	shalt  }
0x57: {  	_ =	shalt  }
0x58: {  	_ =	shalt  }
0x59: {  	_ =	shalt  }
0x5a: {  	_ =	shalt  }
0x5b: {  	_ =	shalt  }
0x5c: {  	_ =	shalt  }
0x5d: {  	_ =	shalt  }
0x5e: {  	_ =	shalt  }
0x5f: {  	_ =	shalt  }
0x60: {  	_ =	shalt  }
0x61: {  	_ =	shalt  }
0x62: {  	_ =	shalt  }
0x63: {  	_ =	shalt  }
0x64: {  	_ =	shalt  }
0x65: {  	_ =	shalt  }
0x66: {  	_ =	shalt  }
0x67: {  	_ =	shalt  }
0x68: {  	_ =	shalt  }
0x69: {  	_ =	shalt  }
0x6a: {  	_ =	shalt  }
0x6b: {  	_ =	shalt  }
0x6c: {  	_ =	shalt  }
0x6d: {  	_ =	shalt  }
0x6e: {  	_ =	shalt  }
0x6f: {  	_ =	shalt  }
0x70: {  	_ =	shalt  }
0x71: {  	_ =	shalt  }
0x72: {  	_ =	shalt  }
0x73: {  	_ =	shalt  }
0x74: {  	_ =	shalt  }
0x75: {  	_ =	shalt  }
0x76: {  	_ =	shalt  }
0x77: {  	_ =	shalt  }
0x78: {  	_ =	shalt  }
0x79: {  	_ =	shalt  }
0x7a: {  	_ =	shalt  }
0x7b: {  	_ =	shalt  }
0x7c: {  	_ =	shalt  }
0x7d: {  	_ =	shalt  }
0x7e: {  	_ =	shalt  }
0x7f: {  	_ =	shalt  }
0x80: {  	_ =	shalt  }
0x81: {  	_ =	shalt  }
0x82: {  	_ =	shalt  }
0x83: {  	_ =	shalt  }
0x84: {  	_ =	shalt  }
0x85: {  	_ =	shalt  }
0x86: {  	_ =	shalt  }
0x87: {  	_ =	shalt  }
.Lfunc_end0:
.L_simem_size_0:
called_computation_lowered:
.L_overlay_start_0:
0x88: {  	s2 =	sld [smem:$0x3FD9]  }
0x89: {  	s3 =	sld [smem:$0x3FFE];
	_ =	sdelay $0x1  }
0x8a: {  	s1 =	srdreg.scid  }
0x8b: {  	s0 =	sand.u32 $0x1, s1  }
0x8c: {  	s17 =	sshll.u32 s0, $0xA;
	s2 =	sadd.s32 s3, s2  }
0x8d: {  	s2 =	sadd.s32 s2, s17  }
0x8e: {  	[smem:$0x3FC4] =	sst s2  }
0x8f: {  	_ = 	snop  }
0x90: {  	s2 =	sld [smem:$0x3FD0];
	(tm) =	ssettm $0x1  }
0x91: {  	s18 =	sld [smem:$0x3FFB];
	_ =	sdelay $0x3  }
0x92: {  	_ =	strace s18  }
0x93: {  	s3 =	sld [smem:$0x3FFC];
	_ =	sdelay $0x3  }
0x94: {  	_ =	strace s3  }
0x95: {  	s3 =	sld [smem:$0x3FFD];
	_ =	sdelay $0x3  }
0x96: {  	_ =	strace s3  }
0x97: {  	_ =	strace $0x8FFFFFFF  }
0x98: {  	s19 =	sld [smem:$0x3FDB];
	_ =	sdelay $0x1  }
0x99: {  	s4 =	simm.s32 $_scs_section_size  }
0x9a: {  	s5 =	simm.s32 $_size__tile_overlayer_lowered;
	s6 =	simm.s32 $_tile_overlayer_lowered  }
0x9b: {  	s22 =	simm.s32 $0x1BFF;
	s21 =	sshll.u32 s6, $0x1;
	s3 =	sadd.s32 s4, s19  }
0x9c: {  	s7 =	simm.s32 $0x0;
	s20 =	sshll.u32 s5, $0x1;
	s5 =	sadd.s32 s21, s3  }
0x9d: {  	[timem:s7], [sflag:s22] =	dma.local [hbm:s5], s20  }
0x9e: {  	_ =	swait.ge [sflag:s22], s20  }
0x9f: {  	s4 =	ssub.s32 $0x0, s20;
	[sflag:s22] =	ssyncset.done $0x0  }
0xa0: {  	[sflag:s22] =	ssyncadd.s32 s4;
	_ =	sdelay $0x1  }
0xa1: {  	s23 =	simm.s32 $0x1B8B  }
0xa2: {  	_ =	swait.ge [sflag:s23], $0x1  }
0xa3: {  	[sflag:s23] =	ssyncset.done $0x0  }
0xa4: {  	s25 =	simm.s32 $0x1B8E;
	s24 =	sld [smem:$0x3FFE];
	[sflag:s23] =	ssyncadd.s32 $0xFFFFFFFF  }
0xa5: {  	s26 =	simm.s32 $execute0_lowered;
	[smem:$0x3FD2] =	sst s25  }
0xa6: {  	s5 =	sshll.u32 s26, $0x1;
	_ =	strace $0x80000046;
	[dreg:$0x1] =	wrdreg $0xFFFFFFFF  }
0xa7: {  	s28 =	simm.s32 $_size_execute0_lowered;
	s3 =	sadd.s32 s3, s5;
	[dreg:$0x0] =	wrdreg $0x0  }
0xa8: {  	s5 =	sshll.u32 s28, $0x1;
	[dreg:$0x2] =	wrdreg s3  }
0xa9: {  	[dreg:$0x3] =	wrdreg s5  }
0xaa: {  	[dreg:$0x4] =	wrdreg $0xC0  }
0xab: {  	_ =	task [dreg:s7], $0x5FFFF  }
0xac: {  	[dreg:$0x1] =	wrdreg $0xFFFFFFFF  }
0xad: {  	[dreg:$0x0] =	wrdreg $0x60  }
0xae: {  	[dreg:$0x2] =	wrdreg s24  }
0xaf: {  	[dreg:$0x3] =	wrdreg s2  }
0xb0: {  	[dreg:$0x4] =	wrdreg $0x6900  }
0xb1: {  	[dreg:$0x5] =	wrdreg $0x9  }
0xb2: {  	_ =	task.clear_ibuf [dreg:s7], $0x6FFFF;
	_ =	strace $0x90000046  }
0xb3: {  	s29 =	simm.s32 $0x9;
	_ =	strace $0x80000048  }
0xb4: {  	_ =	swait.ge [sflag:s29], $0x1  }
0xb5: {  	[sflag:s29] =	ssyncadd.s32 $0xFFFFFFFF  }
0xb6: {  	_ =	strace $0x90000048  }
0xb7: {  	_ =	sfence  }
0xb8: {  	s30 =	sld [smem:$0x0];
	_ =	sdelay $0x2  }
0xb9: {  	s31 =	sshll.u32 s1, $0xD;
	s1 =	sshrl.u32 s1, $0x2  }
0xba: {  	s3 =	sand.u32 $0x4000, s31;
	s1 =	sadd.s32 s1, s30  }
0xbb: {  	s0 =	sor.u32 s3, s0;
	s1 =	sshll.u32 s1, $0x11  }
0xbc: {  	s0 =	sor.u32 s1, s0  }
0xbd: {  	s0 =	sadd.s32 $0x8F2B, s0  }
0xbe: {  	[sflag:s0] =	ssyncadd.remote.s32 $0x1  }
0xbf: {  	_ =	sfence.sel $0xFFFF  }
0xc0: {  	[dreg:$0x0] =	wrdreg $0xFFFFFFFF;
	(pc) =	sbr.abs _section_cstart, $3  }
0xc1: {  	[dreg:$0x1] =	wrdreg $0xFFFFFFFF  }
0xc2: {  	_ =	task.clear_ibuf [dreg:s7], $0x2FFFF;
	_ =	strace $0x9FFFFFFF  }
0xc3: {  	(tm) =	ssettm $0x7FFFFFFF  }
tec
execute0_lowered:
.L_overlay_start_1:
0x0: {  	(tag) =	ssettag $0x1  }
0x1: {  	s0 =	rddreg [dreg:$0x0]  }
0x2: {  	s3 =	rddreg [dreg:$0x1]  }
0x3: {  	s1 =	rddreg [dreg:$0x2]  }
0x4: {  	s2 =	simm.s32 $0x0;
	s4 =	srdreg.scid;
	s13 =	stileid.u32  }
0x5: {  	s28 =	simm.s32 $0x2;
	s29 =	simm.s32 $0x4;
	s30 =	simm.s32 $0x0  }
0x6: {  	[smem:$0x7FF] =	sst s2;
	s5 =	sand.u32 $0x1, s4;
	s4 =	sadd.s32 $0x1A00, s0  }
0x7: {  	s11 =	smul.u32 $0x2780, s13;
	s8 =	sadd.s32 $0x15800, s0;
	s0 =	sadd.s32 $0x15600, s0  }
0x8: {  	s12 =	smul.u32 $0x2710, s13;
	s20 =	sshll.u32 s13, $0x6;
	_ =	strace $0x80000047  }
0x9: {  	s6 =	sshll.u32 s5, $0x4;
	[dreg:$0x4] =	wrdreg s8;
	s10 =	smul.u32 $0x27100, s5  }
0xa: {  	s7 =	ssub.s32 $0x2, s5;
	[dreg:$0x5] =	wrdreg s0;
	s5 =	smul.u32 $0x4F00, s5  }
0xb: {  	s8 =	sor.u32 $0x1C05, s20;
	s20 =	simm.s32 $0x50;
	s6 =	sor.u32 s13, s6  }
0xc: {  	s17 =	sshrl.u32 s7, $0x1;
	s14 =	sadd.s32 s11, s1;
	s24 =	sshrl.u32 s11, $0x3  }
0xd: {  	s9 =	smul.u32 $0x2710, s6;
	s18 =	ssub.s32 s7, s17;
	s15 =	sadd.s32 s12, s10  }
0xe: {  	s3 =	sadd.s32 s3, s5;
	s17 =	sshrl.u32 s14, $0x3;
	s23 =	sadd.s32 $0x230, s15  }
0xf: {  	s25 =	sadd.s32 $0x1E0, s15;
	s11 =	smax.u32 s18, $0x1;
	s31 =	sadd.s32 $0x140, s15  }
0x10: {  	s16 =	sadd.s32 $0xF0, s15;
	s0 =	sadd.s32 $0x190, s15;
	s18 =	simm.s32 $0x5  }
0x11: {  	s24 =	sadd.s32 s24, s3;
	s19 =	sshrl.u32 s9, $0x3;
	s5 =	sshrl.u32 s23, $0x3  }
0x12: {  	s26 =	sshrl.u32 s25, $0x3;
	s16 =	sshrl.u32 s16, $0x3;
	s23 =	simm.s32 $0x140  }
0x13: {  	s25 =	simm.s32 $0x1;
	s7 =	sadd.s32 s4, s19;
	s12 =	sadd.s32 s5, s4  }
0x14: {  	s13 =	sadd.s32 s26, s4;
	s5 =	sshrl.u32 s31, $0x3;
	s16 =	sadd.s32 s16, s4  }
0x15: {  	s19 =	simm.s32 $0x190;
	s26 =	simm.s32 $0x3;
	s21 =	sadd.s32 $0xA, s7  }
0x16: {  	s22 =	sadd.s32 $0x14, s7;
	s15 =	sadd.s32 s5, s4;
	[dreg:$0x6] =	wrdreg s21  }
0x17: {  	[dreg:$0x7] =	wrdreg s22;
	s21 =	simm.s32 $0xA0;
	s22 =	simm.s32 $0xF0  }
.LBB2_1:
0x18: {  	s3 =	rddreg [dreg:$0x4]  }
0x19: {  	[spmem:s17], [sflag:s8] =	dma.local [hbm:s3], $0x4F0  }
0x1a: {  	_ =	swait.ge [sflag:s18], $0x4F0  }
0x1b: {  	[sflag:s18] =	ssyncset.done $0x0  }
0x1c: {  	s5 =	rddreg [dreg:$0x5];
	[sflag:s18] =	ssyncadd.s32 $0xFFFFFB10  }
0x1d: {  	[tilespmem:s19], [sflag:$0x5] =	stream.linear.gather [hbm4b:s5+s2], $0x500, $0x38;
	[tilespmem:$0x2E10] =	vst v63  }
0x1e: {  	_ =	swait.ge [sflag:s18], $0x500  }
0x1f: {  	[sflag:s18] =	ssyncset.done $0x0  }
0x20: {  	[sflag:s18] =	ssyncadd.s32 $0xFFFFFB00  }
0x21: {  	[bflag:$0x0] =	sbarrier.arrive $0xFFFF  }
0x22: {  	[tilespmem:s2], [sflag:$0x1] =	stream.linear.gather [hbm4b:s7+s2], $0x50, $0x38;
	[tilespmem:$0x2E10] =	vst v63  }
0x23: {  	p0 =	por $0x1, $0x1;
	s6 =	rddreg [dreg:$0x6]  }
0x24: {  	[tilespmem:s20], [sflag:$0x1] =	stream.linear.gather [hbm4b:s6+s2], $0x50, $0x38;
	[tilespmem:$0x2E10] =	vst v63  }
0x25: {  	s3 =	simm.s32 @!p0 $0x4;
	s9 =	rddreg [dreg:$0x7]  }
0x26: {  	[tilespmem:s21], [sflag:$0x1] =	stream.linear.gather [hbm4b:s9+s2], $0x50, $0x38;
	[tilespmem:$0x2E10] =	vst v63  }
0x27: {  	_ =	swait.ge @!p0 [sflag:s3], $0x500  }
0x28: {  	[sflag:s3] =	ssyncset.done @!p0 $0x0  }
0x29: {  	[sflag:s3] =	ssyncadd.s32 @!p0 $0xFFFFFB00  }
0x2a: {  	_ =	swait.ge @!p0 [sflag:s3], $0x500  }
0x2b: {  	[sflag:s3] =	ssyncset.done @!p0 $0x0  }
0x2c: {  	s10 =	sadd.s32 $0x0, s16;
	[sflag:s3] =	ssyncadd.s32 @!p0 $0xFFFFFB00  }
0x2d: {  	[tilespmem:s22], [sflag:$0x2] =	stream.linear.gather [hbm4b:s10+s2], $0x50, $0x38;
	[tilespmem:$0x2E10] =	vst v63  }
0x2e: {  	s14 =	sadd.s32 $0x0, s15  }
0x2f: {  	[tilespmem:s23], [sflag:$0x2] =	stream.linear.gather [hbm4b:s14+s2], $0x50, $0x38;
	[tilespmem:$0x2E10] =	vst v63  }
0x30: {  	_ =	swait.ge [sflag:s25], $0x50  }
0x31: {  	[sflag:s25] =	ssyncset.done $0x0  }
0x32: {  	[sflag:s25] =	ssyncadd.s32 $0xFFFFFFB0  }
0x33: {  	_ =	swait.ge [sflag:s25], $0x50  }
0x34: {  	[sflag:s25] =	ssyncset.done $0x0  }
0x35: {  	[sflag:s25] =	ssyncadd.s32 $0xFFFFFFB0  }
0x36: {  	_ =	swait.ge [sflag:s25], $0x50  }
0x37: {  	[sflag:s25] =	ssyncset.done $0x0  }
0x38: {  	[sflag:s25] =	ssyncadd.s32 $0xFFFFFFB0  }
0x39: {  	[spmem:s1] =	stream.indirect.scatter.add.f32 [tilespmem:s19], [sflag:$0x3], $0x10, s2, s20, $0xb8;
	[tilespmem:$0x2E10] =	vst v63  }
0x3a: {  	_ = 	snop  }
0x3b: {  	[spmem:s1] =	stream.indirect.scatter.add.f32 [tilespmem:s19], [sflag:$0x3], $0x10, s20, s20, $0xb8;
	[tilespmem:$0x2E10] =	vst v63  }
0x3c: {  	_ = 	snop  }
0x3d: {  	[spmem:s1] =	stream.indirect.scatter.add.f32 [tilespmem:s19], [sflag:$0x3], $0x10, s21, s20, $0xb8;
	[tilespmem:$0x2E10] =	vst v63  }
0x3e: {  	_ =	swait.ge [sflag:s26], $0x500  }
0x3f: {  	[sflag:s26] =	ssyncset.done $0x0  }
0x40: {  	[sflag:s26] =	ssyncadd.s32 $0xFFFFFB00  }
0x41: {  	_ =	swait.ge [sflag:s26], $0x500  }
0x42: {  	[sflag:s26] =	ssyncset.done $0x0  }
0x43: {  	[sflag:s26] =	ssyncadd.s32 $0xFFFFFB00  }
0x44: {  	p0 =	por $0x0, $0x0;
	_ =	swait.ge [sflag:s26], $0x500  }
0x45: {  	s3 =	sshrl.u32 @!p0 s0, $0x3;
	[sflag:s26] =	ssyncset.done $0x0  }
0x46: {  	s5 =	simm.s32 @!p0 $0x0;
	s3 =	sadd.s32 @!p0 s4, s3;
	[sflag:s26] =	ssyncadd.s32 $0xFFFFFB00  }
0x47: {  	[tilespmem:s5], [sflag:$0x1] =	stream.linear.gather @!p0 [hbm4b:s3+s5], $0x50, $0x38;
	[tilespmem:$0x2E10] =	vst v63  }
0x48: {  	s14 =	simm.s32 @!p0 $0x50;
	s3 =	sadd.s32 @!p0 $0x0, s13  }
0x49: {  	[tilespmem:s14], [sflag:$0x1] =	stream.linear.gather @!p0 [hbm4b:s3+s5], $0x50, $0x38;
	[tilespmem:$0x2E10] =	vst v63  }
0x4a: {  	s3 =	sadd.s32 @!p0 $0x0, s12;
	s14 =	simm.s32 @!p0 $0xA0  }
0x4b: {  	[tilespmem:s14], [sflag:$0x1] =	stream.linear.gather @!p0 [hbm4b:s3+s5], $0x50, $0x38;
	[tilespmem:$0x2E10] =	vst v63  }
0x4c: {  	_ =	swait.ge [sflag:s28], $0x50  }
0x4d: {  	[sflag:s28] =	ssyncset.done $0x0  }
0x4e: {  	[sflag:s28] =	ssyncadd.s32 $0xFFFFFFB0  }
0x4f: {  	_ =	swait.ge [sflag:s28], $0x50  }
0x50: {  	s31 =	simm.s32 $0x32;
	p1 =	por $0x0, $0x0;
	[sflag:s28] =	ssyncset.done $0x0  }
0x51: {  	s3 =	simm.s32 $0x64;
	s14 =	smov.u32 s0;
	[sflag:s28] =	ssyncadd.s32 $0xFFFFFFB0  }
0x52: {  	[spmem:s1] =	stream.indirect.scatter.add.f32 [tilespmem:s19], [sflag:$0x4], $0x10, s22, s20, $0xb8;
	[tilespmem:$0x2E10] =	vst v63  }
.LBB2_2:
0x53: {  	s6 =	simm.s32 @!p1 $0x4  }
0x54: {  	s14 =	sadd.s32 $0x190, s14;
	s5 =	smov.u32 s3;
	s3 =	sadd.s32 $0x32, s3  }
0x55: {  	[spmem:s1] =	stream.indirect.scatter.add.f32 [tilespmem:s19], [sflag:$0x4], $0x10, s23, s20, $0xb8;
	[tilespmem:$0x2E10] =	vst v63  }
0x56: {  	p0 =	sne.s32 s3, $0x4E2;
	_ =	swait.ge @!p1 [sflag:s6], $0x500  }
0x57: {  	[sflag:s6] =	ssyncset.done @!p1 $0x0  }
0x58: {  	[sflag:s6] =	ssyncadd.s32 @!p1 $0xFFFFFB00  }
0x59: {  	_ =	swait.ge @!p1 [sflag:s6], $0x500  }
0x5a: {  	[sflag:s6] =	ssyncset.done @!p1 $0x0  }
0x5b: {  	[sflag:s6] =	ssyncadd.s32 @!p1 $0xFFFFFB00;
	s6 =	sadd.s32 s31, s16  }
0x5c: {  	[tilespmem:s22], [sflag:$0x2] =	stream.linear.gather [hbm4b:s6+s2], $0x50, $0x38;
	[tilespmem:$0x2E10] =	vst v63  }
0x5d: {  	s6 =	sadd.s32 s31, s15  }
0x5e: {  	[tilespmem:s23], [sflag:$0x2] =	stream.linear.gather [hbm4b:s6+s2], $0x50, $0x38;
	[tilespmem:$0x2E10] =	vst v63  }
0x5f: {  	_ =	swait.ge [sflag:s25], $0x50  }
0x60: {  	[sflag:s25] =	ssyncset.done $0x0  }
0x61: {  	[sflag:s25] =	ssyncadd.s32 $0xFFFFFFB0  }
0x62: {  	_ =	swait.ge [sflag:s25], $0x50  }
0x63: {  	[sflag:s25] =	ssyncset.done $0x0  }
0x64: {  	[sflag:s25] =	ssyncadd.s32 $0xFFFFFFB0  }
0x65: {  	_ =	swait.ge [sflag:s25], $0x50  }
0x66: {  	[sflag:s25] =	ssyncset.done $0x0  }
0x67: {  	[sflag:s25] =	ssyncadd.s32 $0xFFFFFFB0  }
0x68: {  	[spmem:s1] =	stream.indirect.scatter.add.f32 [tilespmem:s19], [sflag:$0x3], $0x10, s2, s20, $0xb8;
	[tilespmem:$0x2E10] =	vst v63  }
0x69: {  	_ = 	snop  }
0x6a: {  	[spmem:s1] =	stream.indirect.scatter.add.f32 [tilespmem:s19], [sflag:$0x3], $0x10, s20, s20, $0xb8;
	[tilespmem:$0x2E10] =	vst v63  }
0x6b: {  	_ = 	snop  }
0x6c: {  	[spmem:s1] =	stream.indirect.scatter.add.f32 [tilespmem:s19], [sflag:$0x3], $0x10, s21, s20, $0xb8;
	[tilespmem:$0x2E10] =	vst v63  }
0x6d: {  	_ =	swait.ge [sflag:s26], $0x500  }
0x6e: {  	[sflag:s26] =	ssyncset.done $0x0  }
0x6f: {  	[sflag:s26] =	ssyncadd.s32 $0xFFFFFB00  }
0x70: {  	_ =	swait.ge [sflag:s26], $0x500  }
0x71: {  	[sflag:s26] =	ssyncset.done $0x0  }
0x72: {  	[sflag:s26] =	ssyncadd.s32 $0xFFFFFB00  }
0x73: {  	p1 =	seq.s32 s31, $0x4B0;
	_ =	swait.ge [sflag:s26], $0x500  }
0x74: {  	s6 =	sshrl.u32 @!p1 s14, $0x3;
	[sflag:s26] =	ssyncset.done $0x0  }
0x75: {  	s9 =	simm.s32 @!p1 $0x0;
	s6 =	sadd.s32 @!p1 s4, s6;
	[sflag:s26] =	ssyncadd.s32 $0xFFFFFB00  }
0x76: {  	[tilespmem:s9], [sflag:$0x1] =	stream.linear.gather @!p1 [hbm4b:s6+s9], $0x50, $0x38;
	[tilespmem:$0x2E10] =	vst v63  }
0x77: {  	s10 =	simm.s32 @!p1 $0x50;
	s6 =	sadd.s32 @!p1 s31, s13  }
0x78: {  	[tilespmem:s10], [sflag:$0x1] =	stream.linear.gather @!p1 [hbm4b:s6+s9], $0x50, $0x38;
	[tilespmem:$0x2E10] =	vst v63  }
0x79: {  	s6 =	sadd.s32 @!p1 s31, s12;
	s10 =	simm.s32 @!p1 $0xA0;
	s31 =	smov.u32 s5  }
0x7a: {  	[tilespmem:s10], [sflag:$0x1] =	stream.linear.gather @!p1 [hbm4b:s6+s9], $0x50, $0x38;
	[tilespmem:$0x2E10] =	vst v63  }
0x7b: {  	_ =	swait.ge [sflag:s28], $0x50  }
0x7c: {  	[sflag:s28] =	ssyncset.done $0x0  }
.Ltmp0:
0x7d: {  	[sflag:s28] =	ssyncadd.s32 $0xFFFFFFB0;
	(pc) =	sbr.rel @p0 .LBB2_2-.Ltmp0, $4  }
0x7e: {  	_ =	swait.ge [sflag:s28], $0x50  }
0x7f: {  	[sflag:s28] =	ssyncset.done $0x0  }
0x80: {  	p1 =	seq.s32 s31, $0x0;
	[sflag:s28] =	ssyncadd.s32 $0xFFFFFFB0  }
0x81: {  	[spmem:s1] =	stream.indirect.scatter.add.f32 [tilespmem:s19], [sflag:$0x4], $0x10, s22, s20, $0xb8;
	[tilespmem:$0x2E10] =	vst v63  }
0x82: {  	s3 =	simm.s32 @!p1 $0x4  }
0x83: {  	[spmem:s1] =	stream.indirect.scatter.add.f32 [tilespmem:s19], [sflag:$0x4], $0x10, s23, s20, $0xb8;
	[tilespmem:$0x2E10] =	vst v63  }
0x84: {  	_ =	swait.ge @!p1 [sflag:s3], $0x500  }
0x85: {  	[sflag:s3] =	ssyncset.done @!p1 $0x0  }
0x86: {  	[sflag:s3] =	ssyncadd.s32 @!p1 $0xFFFFFB00  }
0x87: {  	_ =	swait.ge @!p1 [sflag:s3], $0x500  }
0x88: {  	[sflag:s3] =	ssyncset.done @!p1 $0x0  }
0x89: {  	s9 =	sadd.s32 s31, s16;
	[sflag:s3] =	ssyncadd.s32 @!p1 $0xFFFFFB00  }
0x8a: {  	[tilespmem:s22], [sflag:$0x2] =	stream.linear.gather [hbm4b:s9+s2], $0x50, $0x38;
	[tilespmem:$0x2E10] =	vst v63  }
0x8b: {  	s10 =	sadd.s32 s31, s15  }
0x8c: {  	[tilespmem:s23], [sflag:$0x2] =	stream.linear.gather [hbm4b:s10+s2], $0x50, $0x38;
	[tilespmem:$0x2E10] =	vst v63  }
0x8d: {  	_ =	swait.ge [sflag:s25], $0x50  }
0x8e: {  	[sflag:s25] =	ssyncset.done $0x0  }
0x8f: {  	[sflag:s25] =	ssyncadd.s32 $0xFFFFFFB0  }
0x90: {  	_ =	swait.ge [sflag:s25], $0x50  }
0x91: {  	[sflag:s25] =	ssyncset.done $0x0  }
0x92: {  	[sflag:s25] =	ssyncadd.s32 $0xFFFFFFB0  }
0x93: {  	_ =	swait.ge [sflag:s25], $0x50  }
0x94: {  	[sflag:s25] =	ssyncset.done $0x0  }
0x95: {  	[sflag:s25] =	ssyncadd.s32 $0xFFFFFFB0  }
0x96: {  	[spmem:s1] =	stream.indirect.scatter.add.f32 [tilespmem:s19], [sflag:$0x3], $0x10, s2, s20, $0xb8;
	[tilespmem:$0x2E10] =	vst v63  }
0x97: {  	_ = 	snop  }
0x98: {  	[spmem:s1] =	stream.indirect.scatter.add.f32 [tilespmem:s19], [sflag:$0x3], $0x10, s20, s20, $0xb8;
	[tilespmem:$0x2E10] =	vst v63  }
0x99: {  	_ = 	snop  }
0x9a: {  	[spmem:s1] =	stream.indirect.scatter.add.f32 [tilespmem:s19], [sflag:$0x3], $0x10, s21, s20, $0xb8;
	[tilespmem:$0x2E10] =	vst v63  }
0x9b: {  	_ =	swait.ge [sflag:s26], $0x500  }
0x9c: {  	[sflag:s26] =	ssyncset.done $0x0  }
0x9d: {  	[sflag:s26] =	ssyncadd.s32 $0xFFFFFB00  }
0x9e: {  	_ =	swait.ge [sflag:s26], $0x500  }
0x9f: {  	[sflag:s26] =	ssyncset.done $0x0  }
0xa0: {  	[sflag:s26] =	ssyncadd.s32 $0xFFFFFB00  }
0xa1: {  	p0 =	seq.s32 s31, $0x4B0;
	s3 =	sadd.s32 $0x190, s14;
	_ =	swait.ge [sflag:s26], $0x500  }
0xa2: {  	s3 =	sshrl.u32 @!p0 s3, $0x3;
	[sflag:s26] =	ssyncset.done $0x0  }
0xa3: {  	s5 =	simm.s32 @!p0 $0x0;
	s3 =	sadd.s32 @!p0 s4, s3;
	[sflag:s26] =	ssyncadd.s32 $0xFFFFFB00  }
0xa4: {  	[tilespmem:s5], [sflag:$0x1] =	stream.linear.gather @!p0 [hbm4b:s3+s5], $0x50, $0x38;
	[tilespmem:$0x2E10] =	vst v63  }
0xa5: {  	s6 =	simm.s32 @!p0 $0x50;
	s3 =	sadd.s32 @!p0 s31, s13  }
0xa6: {  	[tilespmem:s6], [sflag:$0x1] =	stream.linear.gather @!p0 [hbm4b:s3+s5], $0x50, $0x38;
	[tilespmem:$0x2E10] =	vst v63  }
0xa7: {  	s3 =	sadd.s32 @!p0 s31, s12;
	s6 =	simm.s32 @!p0 $0xA0  }
0xa8: {  	[tilespmem:s6], [sflag:$0x1] =	stream.linear.gather @!p0 [hbm4b:s3+s5], $0x50, $0x38;
	[tilespmem:$0x2E10] =	vst v63  }
0xa9: {  	_ =	swait.ge [sflag:s28], $0x50  }
0xaa: {  	[sflag:s28] =	ssyncset.done $0x0  }
0xab: {  	[sflag:s28] =	ssyncadd.s32 $0xFFFFFFB0  }
0xac: {  	_ =	swait.ge [sflag:s28], $0x50  }
0xad: {  	[sflag:s28] =	ssyncset.done $0x0  }
0xae: {  	[sflag:s28] =	ssyncadd.s32 $0xFFFFFFB0  }
0xaf: {  	[spmem:s1] =	stream.indirect.scatter.add.f32 [tilespmem:s19], [sflag:$0x4], $0x10, s22, s20, $0xb8;
	[tilespmem:$0x2E10] =	vst v63  }
0xb0: {  	_ = 	snop  }
0xb1: {  	[spmem:s1] =	stream.indirect.scatter.add.f32 [tilespmem:s19], [sflag:$0x4], $0x10, s23, s20, $0xb8;
	[tilespmem:$0x2E10] =	vst v63  }
0xb2: {  	_ =	swait.ge [sflag:s29], $0x500  }
0xb3: {  	[sflag:s29] =	ssyncset.done $0x0  }
0xb4: {  	[sflag:s29] =	ssyncadd.s32 $0xFFFFFB00  }
0xb5: {  	_ =	swait.ge [sflag:s29], $0x500  }
0xb6: {  	s30 =	sadd.s32 $0x1, s30;
	[sflag:s29] =	ssyncset.done $0x0  }
0xb7: {  	p0 =	sne.s32 s30, s11;
	[sflag:s29] =	ssyncadd.s32 $0xFFFFFB00  }
.Ltmp1:
0xb8: {  	[bflag:$0x0] =	sbarrier.arrive $0xFFFF;
	(pc) =	sbr.rel @p0 .LBB2_1-.Ltmp1, $4  }
0xb9: {  	[hbm:s24], [sflag:s8] =	dma.local [spmem:s17], $0x4F0  }
0xba: {  	_ =	swait.ge [sflag:s18], $0x4F0  }
0xbb: {  	[sflag:s18] =	ssyncset.done $0x0  }
0xbc: {  	[sflag:s18] =	ssyncadd.s32 $0xFFFFFB10  }
0xbd: {  	_ =	sfence.sel $0x180000  }
0xbe: {  	[bflag:$0x0] =	sbarrier.arrive $0xFFFF  }
0xbf: {  	_ =	strace $0x90000047  }
0xc0: {  	s0 =	stileid.u32;
	[bflag:$0x2] =	sbarrier.arrive $0xFFFF  }
0xc1: {  	p0 =	sne.s32 s0, $0x0;
	s0 =	rddreg [dreg:$0x3]  }
0xc2: {  	s0 =	sadd.s32 @!p0 $0x100000, s0  }
0xc3: {  	[sflag:s0] =	ssyncadd.tile.s32 @!p0 $0x1;
	_ =	shalt  }
.Lfunc_end2:
_tile_overlayer_lowered:
.L_overlay_start_2:
0xc4: {  	(tag) =	ssettag $0x2  }
0xc5: {  	s0 =	rddreg [dreg:$0x0];
	s2 =	stileid.u32  }
0xc6: {  	s1 =	rddreg [dreg:$0x1];
	p0 =	sne.s32 s2, $0x0  }
0xc7: {  	s3 =	rddreg [dreg:$0x2];
	[bflag:$0x3] =	sbarrier.arrive $0xFFFF;
	s2 =	simm.s32 @!p0 $0x1C05  }
0xc8: {  	[timem:s3], [sflag:s2] =	dma.local @!p0 [hbm:s0], s1  }
0xc9: {  	s0 =	simm.s32 @!p0 $0x5  }
0xca: {  	_ =	swait.ge @!p0 [sflag:s0], s1  }
0xcb: {  	s1 =	ssub.s32 @!p0 $0x0, s1;
	[sflag:s0] =	ssyncset.done @!p0 $0x0  }
0xcc: {  	[sflag:s0] =	ssyncadd.s32 @!p0 s1  }
0xcd: {  	[bflag:$0x3] =	sbarrier.arrive $0xFFFF  }
0xce: {  	_ =	shalt  }

// kernel: kernel.9.cloned.1.call-start
scs
__scs_entry_jumppad:
0x0: {  	(pc) =	sbr.rel $0x88, $3  }
0x1: {  	(tag) =	ssettag $0x0;
	lr =	simm.s32 $0x1  }
0x2: {  	[smem:$0x3F9D] =	sst lr;
	_ =	strace $0xD0000000  }
0x3: {  	_ = 	snop  }
0x4: {  	_ = 	snop  }
0x5: {  	_ = 	snop  }
0x6: {  	_ = 	snop  }
0x7: {  	_ = 	snop  }
__scs_overlays_trampoline_lowered:
0x8: {  	[smem:$0x3FAC] =	sst s0  }
0x9: {  	[smem:$0x3FAD] =	sst s1  }
0xa: {  	[smem:$0x3FAE] =	sst s2  }
0xb: {  	[smem:$0x3FAF] =	sst s3  }
0xc: {  	[smem:$0x3FB0] =	sst s4  }
0xd: {  	[smem:$0x3FB1] =	sst s5  }
0xe: {  	[smem:$0x3FB2] =	sst s6  }
0xf: {  	[smem:$0x3FB3] =	sst s7  }
0x10: {  	[smem:$0x3FB4] =	sst s8  }
0x11: {  	[smem:$0x3FB5] =	sst s9;
	s0 =	simm.s32 @!p0 $0x0  }
0x12: {  	s1 =	sld [smem:$0x3F9B];
	s0 =	simm.s32 @p0 $0x1  }
0x13: {  	[smem:$0x3FB6] =	sst s0;
	s0 =	simm.s32 @!p1 $0x0  }
0x14: {  	s2 =	sld [smem:$0x3F9A];
	s0 =	simm.s32 @p1 $0x1  }
0x15: {  	[smem:$0x3FB7] =	sst s0;
	s0 =	simm.s32 @!p2 $0x0  }
0x16: {  	s3 =	sld [smem:$0x3FDB];
	s0 =	simm.s32 @p2 $0x1  }
0x17: {  	s4 =	simm.s32 $0x1BF5;
	[smem:$0x3FB9] =	sst s0  }
0x18: {  	s0 =	sld [smem:$0x3F9C];
	_ =	swait.ge [sflag:s4], $0x0  }
0x19: {  	s7 =	sld [smem:$0x3F9D]  }
0x1a: {  	s8 =	sadd.s32 $0xFFFFE003, lr  }
0x1b: {  	s9 =	sadd.s32 $0xFFFFFEF7, lr;
	s5 =	simm.s32 $0xFFFFFFFF;
	p2 =	slt.u32 s8, $0xFFFFF086  }
0x1c: {  	p1 =	slt.u32 s9, $0xF7A;
	s5 =	simm.s32 @!p2 $0x0  }
0x1d: {  	s5 =	simm.s32 @p1 $0x1;
	p0 =	seq.s32 s7, s2  }
0x1e: {  	s7 =	smul.u32 @!p0 $0xF7A, s2;
	p2 =	seq.s32 @!p0 s5, $0x0  }
0x1f: {  	s9 =	smul.u32 $0xF7A, s1;
	s8 =	simm.s32 @!p0 $0x1BF5;
	p2 =	por !p2, p0  }
0x20: {  	[sflag:s8] =	ssyncset.s32 @!p0 $0xFFFFF086;
	s6 =	sadd.s32 @!p0 s3, s7;
	s7 =	simm.s32 @!p0 $0x108  }
0x21: {  	s3 =	sadd.s32 s3, s9;
	s6 =	sadd.s32 @!p0 $0x88, s6;
	s7 =	simm.s32 @p2 $0x1082  }
0x22: {  	[simem:s7], [sflag:s8] =	dma.local @!p0 [hbm:s6], $0xF7A  }
0x23: {  	s9 =	sor.u32 $0xD0000000, s2;
	s6 =	simm.s32 $0x108;
	_ =	swait.ge @!p0 [sflag:s8], $0x0  }
0x24: {  	s3 =	sadd.s32 $0x88, s3;
	s6 =	simm.s32 @!p1 $0x1082;
	[sflag:s4] =	ssyncset.s32 $0xFFFFF086  }
0x25: {  	[simem:s6], [sflag:s4] =	dma.local [hbm:s3], $0xF7A  }
0x26: {  	[smem:$0x3F9D] =	sst s1;
	(tag) =	ssettag s2;
	_ =	strace s9  }
0x27: {  	s1 =	sld [smem:$0x3FAD]  }
0x28: {  	s2 =	sld [smem:$0x3FAE]  }
0x29: {  	s4 =	sld [smem:$0x3FB0]  }
0x2a: {  	p0 =	seq.s32 s5, $0x0;
	s5 =	sld [smem:$0x3FB1]  }
0x2b: {  	s6 =	sld [smem:$0x3FB2]  }
0x2c: {  	s7 =	sld [smem:$0x3FB3]  }
0x2d: {  	s3 =	simm.s32 $0x108;
	s8 =	sld [smem:$0x3FB4]  }
0x2e: {  	s3 =	simm.s32 @!p0 $0x1082;
	s9 =	sld [smem:$0x3FB5]  }
0x2f: {  	lr =	sadd.s32 s0, s3;
	s0 =	sld [smem:$0x3FAC]  }
0x30: {  	s3 =	sld [smem:$0x3FAF]  }
0x31: {  	[smem:$0x3FB8] =	sst s10  }
0x32: {  	s10 =	sld [smem:$0x3FB6];
	_ =	sdelay $0x3  }
0x33: {  	p0 =	seq.s32 s10, $0x1;
	s10 =	sld [smem:$0x3FB8];
	_ =	sdelay $0x3  }
0x34: {  	[smem:$0x3FB8] =	sst s10  }
0x35: {  	s10 =	sld [smem:$0x3FB7];
	_ =	sdelay $0x3  }
0x36: {  	p1 =	seq.s32 s10, $0x1;
	s10 =	sld [smem:$0x3FB8];
	_ =	sdelay $0x3  }
0x37: {  	[smem:$0x3FB8] =	sst s10  }
0x38: {  	s10 =	sld [smem:$0x3FB9]  }
0x39: {  	_ = 	snop;
	(pc) =	sbr.ind lr, $3  }
0x3a: {  	_ = 	snop  }
0x3b: {  	_ = 	snop  }
0x3c: {  	p2 =	seq.s32 s10, $0x1;
	s10 =	sld [smem:$0x3FB8]  }
0x3d: {  	_ =	shalt  }
0x3e: {  	_ =	shalt  }
0x3f: {  	_ =	shalt  }
0x40: {  	_ =	shalt  }
0x41: {  	_ =	shalt  }
0x42: {  	_ =	shalt  }
0x43: {  	_ =	shalt  }
0x44: {  	_ =	shalt  }
0x45: {  	_ =	shalt  }
0x46: {  	_ =	shalt  }
0x47: {  	_ =	shalt  }
0x48: {  	_ =	shalt  }
0x49: {  	_ =	shalt  }
0x4a: {  	_ =	shalt  }
0x4b: {  	_ =	shalt  }
0x4c: {  	_ =	shalt  }
0x4d: {  	_ =	shalt  }
0x4e: {  	_ =	shalt  }
0x4f: {  	_ =	shalt  }
0x50: {  	_ =	shalt  }
0x51: {  	_ =	shalt  }
0x52: {  	_ =	shalt  }
0x53: {  	_ =	shalt  }
0x54: {  	_ =	shalt  }
0x55: {  	_ =	shalt  }
0x56: {  	_ =	shalt  }
0x57: {  	_ =	shalt  }
0x58: {  	_ =	shalt  }
0x59: {  	_ =	shalt  }
0x5a: {  	_ =	shalt  }
0x5b: {  	_ =	shalt  }
0x5c: {  	_ =	shalt  }
0x5d: {  	_ =	shalt  }
0x5e: {  	_ =	shalt  }
0x5f: {  	_ =	shalt  }
0x60: {  	_ =	shalt  }
0x61: {  	_ =	shalt  }
0x62: {  	_ =	shalt  }
0x63: {  	_ =	shalt  }
0x64: {  	_ =	shalt  }
0x65: {  	_ =	shalt  }
0x66: {  	_ =	shalt  }
0x67: {  	_ =	shalt  }
0x68: {  	_ =	shalt  }
0x69: {  	_ =	shalt  }
0x6a: {  	_ =	shalt  }
0x6b: {  	_ =	shalt  }
0x6c: {  	_ =	shalt  }
0x6d: {  	_ =	shalt  }
0x6e: {  	_ =	shalt  }
0x6f: {  	_ =	shalt  }
0x70: {  	_ =	shalt  }
0x71: {  	_ =	shalt  }
0x72: {  	_ =	shalt  }
0x73: {  	_ =	shalt  }
0x74: {  	_ =	shalt  }
0x75: {  	_ =	shalt  }
0x76: {  	_ =	shalt  }
0x77: {  	_ =	shalt  }
0x78: {  	_ =	shalt  }
0x79: {  	_ =	shalt  }
0x7a: {  	_ =	shalt  }
0x7b: {  	_ =	shalt  }
0x7c: {  	_ =	shalt  }
0x7d: {  	_ =	shalt  }
0x7e: {  	_ =	shalt  }
0x7f: {  	_ =	shalt  }
0x80: {  	_ =	shalt  }
0x81: {  	_ =	shalt  }
0x82: {  	_ =	shalt  }
0x83: {  	_ =	shalt  }
0x84: {  	_ =	shalt  }
0x85: {  	_ =	shalt  }
0x86: {  	_ =	shalt  }
0x87: {  	_ =	shalt  }
.Lfunc_end0:
.L_simem_size_0:
called_computation.1_lowered:
.L_overlay_start_0:
0x88: {  	s2 =	sld [smem:$0x3FD9]  }
0x89: {  	s3 =	sld [smem:$0x3FFE];
	_ =	sdelay $0x1  }
0x8a: {  	s1 =	srdreg.scid  }
0x8b: {  	s0 =	sand.u32 $0x1, s1  }
0x8c: {  	s17 =	sshll.u32 s0, $0xA;
	s2 =	sadd.s32 s3, s2  }
0x8d: {  	s2 =	sadd.s32 s2, s17  }
0x8e: {  	[smem:$0x3FC4] =	sst s2  }
0x8f: {  	_ = 	snop  }
0x90: {  	s2 =	sld [smem:$0x3FD0];
	(tm) =	ssettm $0x1  }
0x91: {  	s18 =	sld [smem:$0x3FFB];
	_ =	sdelay $0x3  }
0x92: {  	_ =	strace s18  }
0x93: {  	s3 =	sld [smem:$0x3FFC];
	_ =	sdelay $0x3  }
0x94: {  	_ =	strace s3  }
0x95: {  	s3 =	sld [smem:$0x3FFD];
	_ =	sdelay $0x3  }
0x96: {  	_ =	strace s3  }
0x97: {  	_ =	strace $0x8FFFFFFF  }
0x98: {  	s19 =	sld [smem:$0x3FDB];
	_ =	sdelay $0x1  }
0x99: {  	s4 =	simm.s32 $_scs_section_size  }
0x9a: {  	s5 =	simm.s32 $_size__tile_overlayer_lowered;
	s6 =	simm.s32 $_tile_overlayer_lowered  }
0x9b: {  	s22 =	simm.s32 $0x1BFF;
	s21 =	sshll.u32 s6, $0x1;
	s3 =	sadd.s32 s4, s19  }
0x9c: {  	s7 =	simm.s32 $0x0;
	s20 =	sshll.u32 s5, $0x1;
	s5 =	sadd.s32 s21, s3  }
0x9d: {  	[timem:s7], [sflag:s22] =	dma.local [hbm:s5], s20  }
0x9e: {  	_ =	swait.ge [sflag:s22], s20  }
0x9f: {  	s4 =	ssub.s32 $0x0, s20;
	[sflag:s22] =	ssyncset.done $0x0  }
0xa0: {  	[sflag:s22] =	ssyncadd.s32 s4;
	_ =	sdelay $0x1  }
0xa1: {  	s23 =	simm.s32 $0x1B8B  }
0xa2: {  	_ =	swait.ge [sflag:s23], $0x1  }
0xa3: {  	[sflag:s23] =	ssyncset.done $0x0  }
0xa4: {  	s25 =	simm.s32 $0x1B8E;
	s24 =	sld [smem:$0x3FFE];
	[sflag:s23] =	ssyncadd.s32 $0xFFFFFFFF  }
0xa5: {  	s26 =	simm.s32 $execute0_lowered;
	[smem:$0x3FD2] =	sst s25  }
0xa6: {  	s5 =	sshll.u32 s26, $0x1;
	_ =	strace $0x80000049;
	[dreg:$0x1] =	wrdreg $0xFFFFFFFF  }
0xa7: {  	s28 =	simm.s32 $_size_execute0_lowered;
	s3 =	sadd.s32 s3, s5;
	[dreg:$0x0] =	wrdreg $0x0  }
0xa8: {  	s5 =	sshll.u32 s28, $0x1;
	[dreg:$0x2] =	wrdreg s3  }
0xa9: {  	[dreg:$0x3] =	wrdreg s5  }
0xaa: {  	[dreg:$0x4] =	wrdreg $0xC0  }
0xab: {  	_ =	task [dreg:s7], $0x5FFFF  }
0xac: {  	[dreg:$0x1] =	wrdreg $0xFFFFFFFF  }
0xad: {  	[dreg:$0x0] =	wrdreg $0x60  }
0xae: {  	[dreg:$0x2] =	wrdreg s24  }
0xaf: {  	[dreg:$0x3] =	wrdreg s2  }
0xb0: {  	[dreg:$0x4] =	wrdreg $0x8D000  }
0xb1: {  	[dreg:$0x5] =	wrdreg $0x9  }
0xb2: {  	_ =	task.clear_ibuf [dreg:s7], $0x6FFFF;
	_ =	strace $0x90000049  }
0xb3: {  	s29 =	simm.s32 $0x9;
	_ =	strace $0x8000004B  }
0xb4: {  	_ =	swait.ge [sflag:s29], $0x1  }
0xb5: {  	[sflag:s29] =	ssyncadd.s32 $0xFFFFFFFF  }
0xb6: {  	_ =	strace $0x9000004B  }
0xb7: {  	_ =	sfence  }
0xb8: {  	s30 =	sld [smem:$0x0];
	_ =	sdelay $0x2  }
0xb9: {  	s31 =	sshll.u32 s1, $0xD;
	s1 =	sshrl.u32 s1, $0x2  }
0xba: {  	s3 =	sand.u32 $0x4000, s31;
	s1 =	sadd.s32 s1, s30  }
0xbb: {  	s0 =	sor.u32 s3, s0;
	s1 =	sshll.u32 s1, $0x11  }
0xbc: {  	s0 =	sor.u32 s1, s0  }
0xbd: {  	s0 =	sadd.s32 $0x8F2B, s0  }
0xbe: {  	[sflag:s0] =	ssyncadd.remote.s32 $0x1  }
0xbf: {  	_ =	sfence.sel $0xFFFF  }
0xc0: {  	[dreg:$0x0] =	wrdreg $0xFFFFFFFF;
	(pc) =	sbr.abs _section_cstart, $3  }
0xc1: {  	[dreg:$0x1] =	wrdreg $0xFFFFFFFF  }
0xc2: {  	_ =	task.clear_ibuf [dreg:s7], $0x2FFFF;
	_ =	strace $0x9FFFFFFF  }
0xc3: {  	(tm) =	ssettm $0x7FFFFFFF  }
tec
execute0_lowered:
.L_overlay_start_1:
0x0: {  	(tag) =	ssettag $0x1  }
0x1: {  	s1 =	rddreg [dreg:$0x0]  }
0x2: {  	s0 =	srdreg.scid;
	s2 =	rddreg [dreg:$0x1]  }
0x3: {  	s12 =	stileid.u32;
	s3 =	rddreg [dreg:$0x2];
	s28 =	simm.s32 $0x2880  }
0x4: {  	s30 =	simm.s32 $0x6D00;
	s31 =	simm.s32 $0x2;
	s29 =	simm.s32 $0x3  }
0x5: {  	s0 =	sand.u32 $0x1, s0;
	s10 =	smul.u32 $0x4F000, s12;
	s16 =	sadd.s32 $0x1A00, s1  }
0x6: {  	s11 =	sadd.s32 $0x64600, s1;
	s19 =	sshll.u32 s12, $0x6;
	s14 =	smul.u32 $0x2710, s12  }
0x7: {  	s4 =	sshll.u32 s0, $0x4;
	s6 =	smul.u32 $0x27800, s0;
	s9 =	ssub.s32 $0x2, s0  }
0x8: {  	s0 =	smul.u32 $0x27100, s0;
	s5 =	sor.u32 s12, s4;
	s4 =	simm.s32 $0x0  }
0x9: {  	s17 =	sshrl.u32 s9, $0x1;
	s18 =	sshrl.u32 s10, $0x2;
	s5 =	smul.u32 $0x2710, s5  }
0xa: {  	[smem:$0x7FF] =	sst s4;
	s9 =	ssub.s32 s9, s17;
	s17 =	sadd.s32 s18, s3  }
0xb: {  	s0 =	sadd.s32 s14, s0;
	s18 =	simm.s32 $0x7;
	_ =	strace $0x8000004A  }
0xc: {  	[dreg:$0x4] =	wrdreg s11;
	s9 =	smax.u32 s9, $0x1;
	s25 =	sadd.s32 $0x150, s0  }
0xd: {  	s26 =	sadd.s32 $0x1D8, s0;
	s0 =	sadd.s32 $0x190, s0;
	s17 =	sshrl.u32 s17, $0x3  }
0xe: {  	s7 =	sshrl.u32 s5, $0x3;
	s20 =	sadd.s32 $0x48, s5;
	s24 =	sadd.s32 $0x88, s5  }
0xf: {  	s5 =	sadd.s32 $0xC8, s5;
	[dreg:$0x7] =	wrdreg s9;
	s0 =	sshrl.u32 s0, $0x3  }
0x10: {  	s8 =	sadd.s32 s7, s1;
	s1 =	sadd.s32 s6, s1;
	s6 =	sor.u32 $0x1C07, s19  }
0x11: {  	s21 =	sshrl.u32 s20, $0x3;
	s22 =	sadd.s32 s16, s7;
	s7 =	smul.u32 $0x2780, s12  }
0x12: {  	s5 =	sshrl.u32 s5, $0x3;
	s19 =	simm.s32 $0x2780;
	s20 =	simm.s32 $0x48  }
0x13: {  	s8 =	sadd.s32 $0xB800, s8;
	s23 =	sadd.s32 s16, s21;
	s1 =	sadd.s32 $0x66E00, s1  }
0x14: {  	s12 =	sadd.s32 s16, s5;
	s11 =	smov.u32 s22;
	s13 =	sadd.s32 $0x22, s22  }
0x15: {  	s5 =	sshrl.u32 s25, $0x3;
	s21 =	simm.s32 $0x2900;
	[dreg:$0x5] =	wrdreg s8  }
0x16: {  	s22 =	simm.s32 $0x2800;
	s25 =	simm.s32 $0x4D00;
	[dreg:$0x6] =	wrdreg s23  }
.Ltmp0:
0x17: {  	s8 =	sshrl.u32 s24, $0x3;
	s14 =	sadd.s32 s5, s16;
	(pc) =	sbr.rel .LBB2_1-.Ltmp0, $4  }
0x18: {  	s23 =	simm.s32 $0x40;
	s24 =	sadd.s32 s7, s1;
	s1 =	simm.s32 $0x4  }
0x19: {  	s5 =	simm.s32 $0x6;
	s7 =	simm.s32 $0x0;
	s8 =	sadd.s32 s16, s8  }
0x1a: {  	[dreg:$0x8] =	wrdreg s8;
	s8 =	sshrl.u32 s26, $0x3;
	s26 =	simm.s32 $0x1  }
0x1b: {  	s15 =	sadd.s32 s8, s16;
	s16 =	sadd.s32 s0, s16;
	s0 =	simm.s32 $0x5  }
.LBB2_4:
0x1c: {  	_ =	swait.ge [sflag:s29], $0x2000  }
0x1d: {  	[sflag:s29] =	ssyncset.done $0x0  }
0x1e: {  	[sflag:s29] =	ssyncadd.s32 $0xFFFFE000  }
0x1f: {  	_ =	swait.ge [sflag:s29], $0x40  }
0x20: {  	[sflag:s29] =	ssyncset.done $0x0  }
0x21: {  	[sflag:s29] =	ssyncadd.s32 $0xFFFFFFC0  }
0x22: {  	[spmem:s3] =	stream.indirect.scatter.add.f32 [tilespmem:s30], [sflag:$0x6], $0x80, s28, s23, $0xb8;
	[tilespmem:$0x1C900] =	vst v63  }
0x23: {  	_ =	swait.ge [sflag:s0], $0x2000  }
0x24: {  	[sflag:s0] =	ssyncset.done $0x0  }
0x25: {  	[sflag:s0] =	ssyncadd.s32 $0xFFFFE000  }
0x26: {  	_ =	swait.ge [sflag:s5], $0x2000  }
0x27: {  	[sflag:s5] =	ssyncset.done $0x0  }
0x28: {  	[sflag:s5] =	ssyncadd.s32 $0xFFFFE000  }
0x29: {  	[bflag:$0x0] =	sbarrier.arrive $0xFFFF  }
0x2a: {  	[hbm:s24], [sflag:s6] =	dma.local [spmem:s17], $0x2780  }
0x2b: {  	_ =	swait.ge [sflag:s18], $0x2780  }
0x2c: {  	s7 =	sadd.s32 $0x1, s7;
	s8 =	rddreg [dreg:$0x7]  }
0x2d: {  	p0 =	sne.s32 s7, s8  }
.Ltmp1:
0x2e: {  	_ = 	snop;
	(pc) =	sbr.rel @!p0 .LBB2_5-.Ltmp1, $3  }
0x2f: {  	_ =	sdelay $0x1  }
0x30: {  	[sflag:s18] =	ssyncset.done $0x0  }
0x31: {  	[sflag:s18] =	ssyncadd.s32 $0xFFFFD880  }
.LBB2_1:
0x32: {  	s8 =	rddreg [dreg:$0x4]  }
0x33: {  	[spmem:s17], [sflag:s6] =	dma.local [hbm:s8], $0x2780  }
0x34: {  	_ =	swait.ge [sflag:s18], $0x2780  }
0x35: {  	[sflag:s18] =	ssyncset.done $0x0  }
0x36: {  	s9 =	rddreg [dreg:$0x5];
	[sflag:s18] =	ssyncadd.s32 $0xFFFFD880  }
0x37: {  	[tilespmem:s4], [sflag:$0x7] =	stream.linear.gather [hbm4b:s9+s4], $0x2710, $0x38;
	[tilespmem:$0x1C900] =	vst v63  }
0x38: {  	_ =	swait.ge [sflag:s18], $0x2710  }
0x39: {  	[sflag:s18] =	ssyncset.done $0x0  }
0x3a: {  	[sflag:s18] =	ssyncadd.s32 $0xFFFFD8F0  }
0x3b: {  	[bflag:$0x0] =	sbarrier.arrive $0xFFFF  }
0x3c: {  	[tilespmem:s19], [sflag:$0x1] =	stream.linear.gather [hbm4b:s11+s4], $0x48, $0x38;
	[tilespmem:$0x1C900] =	vst v63  }
0x3d: {  	_ = 	snop  }
0x3e: {  	[tilespmem:s21], [sflag:$0x1] =	stream.indirect.gather [hbm4b:s2+s20], $0x80, s4, s20, $0xb8;
	[tilespmem:$0x1C900] =	vst v63  }
0x3f: {  	s10 =	rddreg [dreg:$0x6]  }
0x40: {  	[tilespmem:s22], [sflag:$0x2] =	stream.linear.gather [hbm4b:s10+s4], $0x40, $0x38;
	[tilespmem:$0x1C900] =	vst v63  }
0x41: {  	_ = 	snop  }
0x42: {  	[tilespmem:s25], [sflag:$0x2] =	stream.indirect.gather [hbm4b:s2+s23], $0x80, s20, s23, $0xb8;
	[tilespmem:$0x1C900] =	vst v63  }
0x43: {  	_ =	swait.ge [sflag:s26], $0x2400  }
0x44: {  	[sflag:s26] =	ssyncset.done $0x0  }
0x45: {  	[sflag:s26] =	ssyncadd.s32 $0xFFFFDC00  }
0x46: {  	_ =	swait.ge [sflag:s26], $0x48  }
0x47: {  	[sflag:s26] =	ssyncset.done $0x0  }
0x48: {  	[sflag:s26] =	ssyncadd.s32 $0xFFFFFFB8  }
0x49: {  	[spmem:s3] =	stream.indirect.scatter.add.f32 [tilespmem:s21], [sflag:$0x4], $0x80, s19, s20, $0xb8;
	[tilespmem:$0x1C900] =	vst v63  }
0x4a: {  	s9 =	rddreg [dreg:$0x8]  }
0x4b: {  	[tilespmem:s28], [sflag:$0x3] =	stream.linear.gather [hbm4b:s9+s4], $0x40, $0x38;
	[tilespmem:$0x1C900] =	vst v63  }
0x4c: {  	s10 =	simm.s32 $0x88  }
0x4d: {  	[tilespmem:s30], [sflag:$0x3] =	stream.indirect.gather [hbm4b:s2+s23], $0x80, s10, s23, $0xb8;
	[tilespmem:$0x1C900] =	vst v63  }
0x4e: {  	_ =	swait.ge [sflag:s31], $0x2000  }
0x4f: {  	[sflag:s31] =	ssyncset.done $0x0  }
0x50: {  	[sflag:s31] =	ssyncadd.s32 $0xFFFFE000  }
0x51: {  	_ =	swait.ge [sflag:s31], $0x40  }
0x52: {  	[sflag:s31] =	ssyncset.done $0x0  }
0x53: {  	[sflag:s31] =	ssyncadd.s32 $0xFFFFFFC0  }
0x54: {  	[spmem:s3] =	stream.indirect.scatter.add.f32 [tilespmem:s25], [sflag:$0x5], $0x80, s22, s23, $0xb8;
	[tilespmem:$0x1C900] =	vst v63  }
0x55: {  	_ =	swait.ge [sflag:s1], $0x2400  }
0x56: {  	[sflag:s1] =	ssyncset.done $0x0  }
0x57: {  	[sflag:s1] =	ssyncadd.s32 $0xFFFFDC00  }
0x58: {  	[tilespmem:s19], [sflag:$0x1] =	stream.linear.gather [hbm4b:s12+s4], $0x48, $0x38;
	[tilespmem:$0x1C900] =	vst v63  }
0x59: {  	s9 =	simm.s32 $0xC8  }
0x5a: {  	[tilespmem:s21], [sflag:$0x1] =	stream.indirect.gather [hbm4b:s2+s20], $0x80, s9, s20, $0xb8;
	[tilespmem:$0x1C900] =	vst v63  }
0x5b: {  	_ =	swait.ge [sflag:s29], $0x2000  }
0x5c: {  	[sflag:s29] =	ssyncset.done $0x0  }
0x5d: {  	[sflag:s29] =	ssyncadd.s32 $0xFFFFE000  }
0x5e: {  	_ =	swait.ge [sflag:s29], $0x40  }
0x5f: {  	[sflag:s29] =	ssyncset.done $0x0  }
0x60: {  	[sflag:s29] =	ssyncadd.s32 $0xFFFFFFC0  }
0x61: {  	[spmem:s3] =	stream.indirect.scatter.add.f32 [tilespmem:s30], [sflag:$0x6], $0x80, s28, s23, $0xb8;
	[tilespmem:$0x1C900] =	vst v63  }
0x62: {  	_ =	swait.ge [sflag:s0], $0x2000  }
0x63: {  	[sflag:s0] =	ssyncset.done $0x0  }
0x64: {  	[sflag:s0] =	ssyncadd.s32 $0xFFFFE000  }
0x65: {  	[tilespmem:s22], [sflag:$0x2] =	stream.linear.gather [hbm4b:s13+s4], $0x40, $0x38;
	[tilespmem:$0x1C900] =	vst v63  }
0x66: {  	s8 =	simm.s32 $0x0;
	s10 =	simm.s32 $0x110;
	s9 =	simm.s32 $0x1D8  }
0x67: {  	[tilespmem:s25], [sflag:$0x2] =	stream.indirect.gather [hbm4b:s2+s23], $0x80, s10, s23, $0xb8;
	[tilespmem:$0x1C900] =	vst v63  }
.LBB2_2:
0x68: {  	_ =	swait.ge [sflag:s26], $0x2400  }
0x69: {  	[sflag:s26] =	ssyncset.done $0x0  }
0x6a: {  	[sflag:s26] =	ssyncadd.s32 $0xFFFFDC00  }
0x6b: {  	_ =	swait.ge [sflag:s26], $0x48  }
0x6c: {  	[sflag:s26] =	ssyncset.done $0x0  }
0x6d: {  	[sflag:s26] =	ssyncadd.s32 $0xFFFFFFB8  }
0x6e: {  	[spmem:s3] =	stream.indirect.scatter.add.f32 [tilespmem:s21], [sflag:$0x4], $0x80, s19, s20, $0xb8;
	[tilespmem:$0x1C900] =	vst v63  }
0x6f: {  	_ =	swait.ge [sflag:s5], $0x2000  }
0x70: {  	[sflag:s5] =	ssyncset.done $0x0  }
0x71: {  	s10 =	sadd.s32 s8, s14;
	[sflag:s5] =	ssyncadd.s32 $0xFFFFE000  }
0x72: {  	[tilespmem:s28], [sflag:$0x3] =	stream.linear.gather [hbm4b:s10+s4], $0x40, $0x38;
	[tilespmem:$0x1C900] =	vst v63  }
0x73: {  	s10 =	sadd.s32 $0xFFFFFF78, s9  }
0x74: {  	[tilespmem:s30], [sflag:$0x3] =	stream.indirect.gather [hbm4b:s2+s23], $0x80, s10, s23, $0xb8;
	[tilespmem:$0x1C900] =	vst v63  }
0x75: {  	_ =	swait.ge [sflag:s31], $0x2000  }
0x76: {  	[sflag:s31] =	ssyncset.done $0x0  }
0x77: {  	[sflag:s31] =	ssyncadd.s32 $0xFFFFE000  }
0x78: {  	_ =	swait.ge [sflag:s31], $0x40  }
0x79: {  	p0 =	seq.s32 s8, $0x4B0;
	[sflag:s31] =	ssyncset.done $0x0  }
.Ltmp2:
0x7a: {  	[sflag:s31] =	ssyncadd.s32 $0xFFFFFFC0;
	(pc) =	sbr.rel @p0 .LBB2_4-.Ltmp2, $4  }
0x7b: {  	[spmem:s3] =	stream.indirect.scatter.add.f32 [tilespmem:s25], [sflag:$0x5], $0x80, s22, s23, $0xb8;
	[tilespmem:$0x1C900] =	vst v63  }
0x7c: {  	_ =	swait.ge [sflag:s1], $0x2400  }
0x7d: {  	[sflag:s1] =	ssyncset.done $0x0  }
0x7e: {  	[sflag:s1] =	ssyncadd.s32 $0xFFFFDC00  }
0x7f: {  	s10 =	sadd.s32 s8, s16  }
0x80: {  	[tilespmem:s19], [sflag:$0x1] =	stream.linear.gather [hbm4b:s10+s4], $0x48, $0x38;
	[tilespmem:$0x1C900] =	vst v63  }
0x81: {  	s10 =	sadd.s32 $0xFFFFFFB8, s9  }
0x82: {  	[tilespmem:s21], [sflag:$0x1] =	stream.indirect.gather [hbm4b:s2+s20], $0x80, s10, s20, $0xb8;
	[tilespmem:$0x1C900] =	vst v63  }
0x83: {  	_ =	swait.ge [sflag:s29], $0x2000  }
0x84: {  	[sflag:s29] =	ssyncset.done $0x0  }
0x85: {  	[sflag:s29] =	ssyncadd.s32 $0xFFFFE000  }
0x86: {  	_ =	swait.ge [sflag:s29], $0x40  }
0x87: {  	[sflag:s29] =	ssyncset.done $0x0  }
0x88: {  	[sflag:s29] =	ssyncadd.s32 $0xFFFFFFC0  }
0x89: {  	[spmem:s3] =	stream.indirect.scatter.add.f32 [tilespmem:s30], [sflag:$0x6], $0x80, s28, s23, $0xb8;
	[tilespmem:$0x1C900] =	vst v63  }
0x8a: {  	_ =	swait.ge [sflag:s0], $0x2000  }
0x8b: {  	[sflag:s0] =	ssyncset.done $0x0  }
.Ltmp3:
0x8c: {  	s10 =	sadd.s32 s8, s15;
	[sflag:s0] =	ssyncadd.s32 $0xFFFFE000;
	(pc) =	sbr.rel .LBB2_2-.Ltmp3, $4  }
0x8d: {  	[tilespmem:s22], [sflag:$0x2] =	stream.linear.gather [hbm4b:s10+s4], $0x40, $0x38;
	[tilespmem:$0x1C900] =	vst v63  }
0x8e: {  	_ = 	snop  }
0x8f: {  	[tilespmem:s25], [sflag:$0x2] =	stream.indirect.gather [hbm4b:s2+s23], $0x80, s9, s23, $0xb8;
	[tilespmem:$0x1C900] =	vst v63  }
0x90: {  	s8 =	sadd.s32 $0x19, s8;
	s9 =	sadd.s32 $0xC8, s9  }
.LBB2_5:
0x91: {  	_ =	sfence.sel $0x180000  }
0x92: {  	[bflag:$0x0] =	sbarrier.arrive $0xFFFF  }
0x93: {  	_ =	strace $0x9000004A  }
0x94: {  	s0 =	stileid.u32;
	[bflag:$0x2] =	sbarrier.arrive $0xFFFF  }
0x95: {  	p0 =	sne.s32 s0, $0x0;
	s0 =	rddreg [dreg:$0x3]  }
0x96: {  	s0 =	sadd.s32 @!p0 $0x100000, s0  }
0x97: {  	[sflag:s0] =	ssyncadd.tile.s32 @!p0 $0x1;
	_ =	shalt  }
.Lfunc_end2:
_tile_overlayer_lowered:
.L_overlay_start_2:
0x98: {  	(tag) =	ssettag $0x2  }
0x99: {  	s0 =	rddreg [dreg:$0x0];
	s2 =	stileid.u32  }
0x9a: {  	s1 =	rddreg [dreg:$0x1];
	p0 =	sne.s32 s2, $0x0  }
0x9b: {  	s3 =	rddreg [dreg:$0x2];
	[bflag:$0x3] =	sbarrier.arrive $0xFFFF;
	s2 =	simm.s32 @!p0 $0x1C07  }
0x9c: {  	[timem:s3], [sflag:s2] =	dma.local @!p0 [hbm:s0], s1  }
0x9d: {  	s0 =	simm.s32 @!p0 $0x7  }
0x9e: {  	_ =	swait.ge @!p0 [sflag:s0], s1  }
0x9f: {  	s1 =	ssub.s32 @!p0 $0x0, s1;
	[sflag:s0] =	ssyncset.done @!p0 $0x0  }
0xa0: {  	[sflag:s0] =	ssyncadd.s32 @!p0 s1  }
0xa1: {  	[bflag:$0x3] =	sbarrier.arrive $0xFFFF  }
0xa2: {  	_ =	shalt  }

</sc_bundles>
